<compile_context>
chip_gen: v7x
topology: tpu7x:2x2x1
jax: 0.10.2.dev20260603
libtpu: 0.0.44.dev20260713+nightly
codegen_flags: <defaults>
</compile_context>

<pallas_src>
import functools

import jax
import jax.numpy as jnp
from jax import lax
from jax.experimental import pallas as pl
from jax.experimental.pallas import tpu as pltpu
from jax.experimental.pallas import tpu_sc as plsc

NC = 2
NS = 16
NW = NC * NS

C = 16
NBUF = 4


@functools.lru_cache(maxsize=None)
def _build(n_rows: int, n_cols: int, d_model: int):
    b_per_w = n_rows * n_cols // NW
    n_chunks = b_per_w // C
    w_per_row = n_cols // b_per_w

    def body(tok_hbm, table_hbm, out_hbm, idx_v, buf_v, sems):
        wid = lax.axis_index("s") * NC + lax.axis_index("c")
        base = wid * b_per_w
        pltpu.sync_copy(
            tok_hbm.at[wid // w_per_row,
                       pl.ds((wid % w_per_row) * b_per_w, b_per_w)],
            idx_v,
        )
        lead = NBUF - 1
        for j in range(lead):
            pltpu.async_copy(
                table_hbm.at[idx_v.at[pl.ds(j * C, C)]], buf_v.at[j], sems.at[j]
            )

        @pl.loop(0, n_chunks, step=NBUF)
        def _(c):
            for b in range(NBUF):
                cc = c + b
                pltpu.make_async_copy(
                    table_hbm.at[idx_v.at[pl.ds(cc * C, C)]], buf_v.at[b],
                    sems.at[b],
                ).wait()
                pltpu.sync_copy(
                    buf_v.at[b], out_hbm.at[pl.ds(base + cc * C, C)]
                )
                nxt = cc + lead
                nb = (b + lead) % NBUF

                @pl.when(nxt < n_chunks)
                def _():
                    pltpu.async_copy(
                        table_hbm.at[idx_v.at[pl.ds(nxt * C, C)]], buf_v.at[nb],
                        sems.at[nb],
                    )

    return pl.kernel(
        body,
        out_type=jax.ShapeDtypeStruct((NW * b_per_w, d_model), jnp.float32),
        mesh=plsc.VectorSubcoreMesh(core_axis_name="c", subcore_axis_name="s"),
        scratch_types=[
            pltpu.VMEM((b_per_w,), jnp.int32),
            pltpu.VMEM((NBUF, C, d_model), jnp.float32),
            pltpu.SemaphoreType.DMA((NBUF,)),
        ],
    )


def _lookup_flat(tok_flat, embed_weights):
    d_model = embed_weights.shape[1]
    grain = NW * C * NBUF
    n_pad = (-tok_flat.size) % grain
    n_tokens = tok_flat.size
    if n_pad:
        tok_flat = jnp.concatenate([tok_flat, jnp.zeros((n_pad,), jnp.int32)])
    out = _build(1, tok_flat.size, d_model)(tok_flat.reshape(1, -1),
                                            embed_weights)
    if n_pad:
        out = out[:n_tokens]
    return out


def kernel(tokens, embed_weights):
    d_model = embed_weights.shape[1]
    tok = tokens.astype(jnp.int32)
    n_rows, n_cols = (tok.shape if tok.ndim == 2 else (1, tok.size))
    b_per_w = n_rows * n_cols // NW
    if (tok.ndim == 2 and n_rows * n_cols % (NW * C * NBUF) == 0
            and b_per_w <= n_cols and n_cols % b_per_w == 0):
        out = _build(n_rows, n_cols, d_model)(tok, embed_weights)
    else:
        out = _lookup_flat(tok.reshape(-1), embed_weights)
    return out.reshape(tokens.shape + (d_model,))

# --- scband reference (transcript-rebuilt; emitter-appended) ---
"""Pipeline reference for scband-embed-77326591197778 (READ-ONLY COPY).

The authoritative reference and input builder live on the scoring server;
editing this copy changes nothing except your own understanding.
"""

import jax, jax.numpy as jnp
import numpy as np

D_VOCAB = 100000
D_MODEL = 1024

def setup_inputs(seed: int = 0) -> dict:
    key = jax.random.key(seed)
    k_tok, k_w = jax.random.split(key)
    tokens = jax.random.randint(k_tok, (4, 8192), 0, D_VOCAB, dtype=jnp.int64 if jax.config.read('jax_enable_x64') else jnp.int32)
    # xavier_uniform: limit = sqrt(6 / (fan_in + fan_out))
    limit = float(np.sqrt(6.0 / (D_VOCAB + D_MODEL)))
    embed_weights = jax.random.uniform(k_w, (D_VOCAB, D_MODEL), minval=-limit, maxval=limit, dtype=jnp.float32)
    return {"tokens": tokens, "embed_weights": embed_weights}

def reference(tokens, embed_weights):
    # Equivalent of self.embed_weights[tokens, :]
    return jnp.take(embed_weights, tokens, axis=0)

if __name__ == "__main__":
    import jax
    _d = setup_inputs()
    print(jax.jit(kernel)(*tuple(_d.values())))

</pallas_src>

<mosaic_0001>
#map = affine_map<(d0, d1) -> (0, 0)>
module attributes {stable_mosaic.version = 14 : i64} {
  func.func @body(%arg0: i32, %arg1: i32, %arg2: memref<4x8192xi32, #tpu.memory_space<hbm>>, %arg3: memref<100000x1024xf32, #tpu.memory_space<hbm>>, %arg4: memref<32768x1024xf32, #tpu.memory_space<hbm>>, %arg5: memref<1024xi32, #tpu.memory_space<vmem>>, %arg6: memref<4x16x1024xf32, #tpu.memory_space<vmem>>, %arg7: memref<4x!tpu.dma_semaphore, #tpu.memory_space<semaphore_mem>>) attributes {dimension_semantics = [#tpu.dimension_semantics<core_parallel>, #tpu.dimension_semantics<subcore_parallel>], iteration_bounds = array<i64: 2, 16>, scalar_prefetch = 0 : i64, scratch_operands = 3 : i64, tpu.core_type = #tpu.core_type<sc_vector_subcore>, window_params = [{transform_indices = #map}, {transform_indices = #map}, {transform_indices = #map}]} {
    %mul3A = arith.constant 2 : i32
    %mul3A_0 = arith.muli %arg1, %mul3A : i32
    %add3A = arith.addi %mul3A_0, %arg0 : i32
    %mul3A_1 = arith.constant 1024 : i32
    %mul3A_2 = arith.muli %add3A, %mul3A_1 : i32
    %jit3A = arith.constant 8 : i32
    %div3A = arith.divsi %add3A, %jit3A : i32
    %sign3A = arith.constant 0 : i32
    %sign3A_3 = arith.cmpi sgt, %add3A, %sign3A : i32
    %sign3A_4 = arith.extui %sign3A_3 : i1 to i32
    %sign3A_5 = arith.constant 0 : i32
    %sign3A_6 = arith.cmpi slt, %add3A, %sign3A_5 : i32
    %sign3A_7 = arith.extui %sign3A_6 : i1 to i32
    %sign3A_8 = arith.subi %sign3A_4, %sign3A_7 : i32
    %sign3A_9 = arith.constant 0 : i32
    %sign3A_10 = arith.cmpi sgt, %jit3A, %sign3A_9 : i32
    %sign3A_11 = arith.extui %sign3A_10 : i1 to i32
    %sign3A_12 = arith.constant 0 : i32
    %sign3A_13 = arith.cmpi slt, %jit3A, %sign3A_12 : i32
    %sign3A_14 = arith.extui %sign3A_13 : i1 to i32
    %sign3A_15 = arith.subi %sign3A_11, %sign3A_14 : i32
    %ne3A = arith.cmpi ne, %sign3A_8, %sign3A_15 : i32
    %rem3A = arith.remsi %add3A, %jit3A : i32
    %ne3A_16 = arith.constant 0 : i32
    %ne3A_17 = arith.cmpi ne, %rem3A, %ne3A_16 : i32
    %and3A = arith.andi %ne3A, %ne3A_17 : i1
    %sub3A = arith.constant 1 : i32
    %sub3A_18 = arith.subi %div3A, %sub3A : i32
    %select_n3A = arith.select %and3A, %sub3A_18, %div3A : i32
    %jit3A_19 = arith.constant 8 : i32
    %eq3A = arith.constant 0 : i32
    %eq3A_20 = arith.cmpi eq, %jit3A_19, %eq3A : i32
    %jit3A_21 = arith.constant 1 : i32
    %select_n3A_22 = arith.select %eq3A_20, %jit3A_21, %jit3A_19 : i32
    %rem3A_23 = arith.remsi %add3A, %select_n3A_22 : i32
    %ne3A_24 = arith.constant 0 : i32
    %ne3A_25 = arith.cmpi ne, %rem3A_23, %ne3A_24 : i32
    %lt3A = arith.constant 0 : i32
    %lt3A_26 = arith.cmpi slt, %rem3A_23, %lt3A : i32
    %lt3A_27 = arith.constant 0 : i32
    %lt3A_28 = arith.cmpi slt, %select_n3A_22, %lt3A_27 : i32
    %ne3A_29 = arith.xori %lt3A_26, %lt3A_28 : i1
    %and3A_30 = arith.andi %ne3A_29, %ne3A_25 : i1
    %add3A_31 = arith.addi %rem3A_23, %select_n3A_22 : i32
    %select_n3A_32 = arith.select %and3A_30, %add3A_31, %rem3A_23 : i32
    %mul3A_33 = arith.constant 1024 : i32
    %mul3A_34 = arith.muli %select_n3A_32, %mul3A_33 : i32
    "tpu.region"() ({
      %run_scoped3A = tpu.sem_alloc : memref<!tpu.dma_semaphore, #tpu.memory_space<semaphore_mem>>
      %dma_start3A_77 = tpu.memref_slice %arg2[%select_n3A, %mul3A_34] : memref<4x8192xi32, #tpu.memory_space<hbm>> -> memref<1x1024xi32, #tpu.memory_space<hbm>>
      %dma_start3A_78 = tpu.memref_squeeze %dma_start3A_77 : memref<1x1024xi32, #tpu.memory_space<hbm>> -> memref<1024xi32, #tpu.memory_space<hbm>>
      %dma_start3A_79 = tpu.memref_slice %arg2[%select_n3A, %mul3A_34] : memref<4x8192xi32, #tpu.memory_space<hbm>> -> memref<1x1024xi32, #tpu.memory_space<hbm>>
      %dma_start3A_80 = tpu.memref_squeeze %dma_start3A_79 : memref<1x1024xi32, #tpu.memory_space<hbm>> -> memref<1024xi32, #tpu.memory_space<hbm>>
      tpu.enqueue_dma source(%dma_start3A_80 : memref<1024xi32, #tpu.memory_space<hbm>>) target(%arg5 : memref<1024xi32, #tpu.memory_space<vmem>>) target_semaphore(%run_scoped3A : memref<!tpu.dma_semaphore, #tpu.memory_space<semaphore_mem>>)
      %dma_wait3A = tpu.memref_slice %arg2[%select_n3A, %mul3A_34] : memref<4x8192xi32, #tpu.memory_space<hbm>> -> memref<1x1024xi32, #tpu.memory_space<hbm>>
      %dma_wait3A_81 = tpu.memref_squeeze %dma_wait3A : memref<1x1024xi32, #tpu.memory_space<hbm>> -> memref<1024xi32, #tpu.memory_space<hbm>>
      %dma_wait3A_82 = tpu.memref_slice %arg2[%select_n3A, %mul3A_34] : memref<4x8192xi32, #tpu.memory_space<hbm>> -> memref<1x1024xi32, #tpu.memory_space<hbm>>
      %dma_wait3A_83 = tpu.memref_squeeze %dma_wait3A_82 : memref<1x1024xi32, #tpu.memory_space<hbm>> -> memref<1024xi32, #tpu.memory_space<hbm>>
      tpu.wait_dma2 semaphore(%run_scoped3A : memref<!tpu.dma_semaphore, #tpu.memory_space<semaphore_mem>>) src(%dma_wait3A_83 : memref<1024xi32, #tpu.memory_space<hbm>>) dst(%arg5 : memref<1024xi32, #tpu.memory_space<vmem>>)
      tpu.yield
    }) : () -> ()
    %dma_start3A = arith.constant 0 : i32
    %dma_start3A_35 = arith.constant 0 : i32
    %dma_start3A_36 = arith.constant 0 : i32
    %dma_start3A_37 = arith.constant 0 : i32
    %dma_start3A_38 = tpu.memref_slice %arg6[%dma_start3A, %dma_start3A_36, %dma_start3A_37] : memref<4x16x1024xf32, #tpu.memory_space<vmem>> -> memref<1x16x1024xf32, #tpu.memory_space<vmem>>
    %dma_start3A_39 = tpu.memref_squeeze %dma_start3A_38 : memref<1x16x1024xf32, #tpu.memory_space<vmem>> -> memref<16x1024xf32, #tpu.memory_space<vmem>>
    %dma_start3A_40 = arith.constant 0 : i32
    %dma_start3A_41 = tpu.memref_slice %arg5[%dma_start3A_40] : memref<1024xi32, #tpu.memory_space<vmem>> -> memref<16xi32, #tpu.memory_space<vmem>>
    %dma_start3A_42 = arith.constant 0 : i32
    %dma_start3A_43 = arith.constant 0 : i32
    %dma_start3A_44 = tpu.memref_slice %arg3[%dma_start3A_42, %dma_start3A_43] : memref<100000x1024xf32, #tpu.memory_space<hbm>> -> memref<100000x1024xf32, #tpu.memory_space<hbm>>
    %dma_start3A_45 = tpu.memref_slice %arg7[%dma_start3A_35] : memref<4x!tpu.dma_semaphore, #tpu.memory_space<semaphore_mem>> -> memref<1x!tpu.dma_semaphore, #tpu.memory_space<semaphore_mem>>
    %dma_start3A_46 = tpu.memref_squeeze %dma_start3A_45 : memref<1x!tpu.dma_semaphore, #tpu.memory_space<semaphore_mem>> -> memref<!tpu.dma_semaphore, #tpu.memory_space<semaphore_mem>>
    tpu.enqueue_indirect_dma source(%dma_start3A_44 : memref<100000x1024xf32, #tpu.memory_space<hbm>>) target(%dma_start3A_39 : memref<16x1024xf32, #tpu.memory_space<vmem>>) offsets(%dma_start3A_41 : memref<16xi32, #tpu.memory_space<vmem>>) semaphore(%dma_start3A_46 : memref<!tpu.dma_semaphore, #tpu.memory_space<semaphore_mem>>)
    %dma_start3A_47 = arith.constant 1 : i32
    %dma_start3A_48 = arith.constant 1 : i32
    %dma_start3A_49 = arith.constant 0 : i32
    %dma_start3A_50 = arith.constant 0 : i32
    %dma_start3A_51 = tpu.memref_slice %arg6[%dma_start3A_47, %dma_start3A_49, %dma_start3A_50] : memref<4x16x1024xf32, #tpu.memory_space<vmem>> -> memref<1x16x1024xf32, #tpu.memory_space<vmem>>
    %dma_start3A_52 = tpu.memref_squeeze %dma_start3A_51 : memref<1x16x1024xf32, #tpu.memory_space<vmem>> -> memref<16x1024xf32, #tpu.memory_space<vmem>>
    %dma_start3A_53 = arith.constant 16 : i32
    %dma_start3A_54 = tpu.memref_slice %arg5[%dma_start3A_53] : memref<1024xi32, #tpu.memory_space<vmem>> -> memref<16xi32, #tpu.memory_space<vmem>>
    %dma_start3A_55 = arith.constant 0 : i32
    %dma_start3A_56 = arith.constant 0 : i32
    %dma_start3A_57 = tpu.memref_slice %arg3[%dma_start3A_55, %dma_start3A_56] : memref<100000x1024xf32, #tpu.memory_space<hbm>> -> memref<100000x1024xf32, #tpu.memory_space<hbm>>
    %dma_start3A_58 = tpu.memref_slice %arg7[%dma_start3A_48] : memref<4x!tpu.dma_semaphore, #tpu.memory_space<semaphore_mem>> -> memref<1x!tpu.dma_semaphore, #tpu.memory_space<semaphore_mem>>
    %dma_start3A_59 = tpu.memref_squeeze %dma_start3A_58 : memref<1x!tpu.dma_semaphore, #tpu.memory_space<semaphore_mem>> -> memref<!tpu.dma_semaphore, #tpu.memory_space<semaphore_mem>>
    tpu.enqueue_indirect_dma source(%dma_start3A_57 : memref<100000x1024xf32, #tpu.memory_space<hbm>>) target(%dma_start3A_52 : memref<16x1024xf32, #tpu.memory_space<vmem>>) offsets(%dma_start3A_54 : memref<16xi32, #tpu.memory_space<vmem>>) semaphore(%dma_start3A_59 : memref<!tpu.dma_semaphore, #tpu.memory_space<semaphore_mem>>)
    %dma_start3A_60 = arith.constant 2 : i32
    %dma_start3A_61 = arith.constant 2 : i32
    %dma_start3A_62 = arith.constant 0 : i32
    %dma_start3A_63 = arith.constant 0 : i32
    %dma_start3A_64 = tpu.memref_slice %arg6[%dma_start3A_60, %dma_start3A_62, %dma_start3A_63] : memref<4x16x1024xf32, #tpu.memory_space<vmem>> -> memref<1x16x1024xf32, #tpu.memory_space<vmem>>
    %dma_start3A_65 = tpu.memref_squeeze %dma_start3A_64 : memref<1x16x1024xf32, #tpu.memory_space<vmem>> -> memref<16x1024xf32, #tpu.memory_space<vmem>>
    %dma_start3A_66 = arith.constant 32 : i32
    %dma_start3A_67 = tpu.memref_slice %arg5[%dma_start3A_66] : memref<1024xi32, #tpu.memory_space<vmem>> -> memref<16xi32, #tpu.memory_space<vmem>>
    %dma_start3A_68 = arith.constant 0 : i32
    %dma_start3A_69 = arith.constant 0 : i32
    %dma_start3A_70 = tpu.memref_slice %arg3[%dma_start3A_68, %dma_start3A_69] : memref<100000x1024xf32, #tpu.memory_space<hbm>> -> memref<100000x1024xf32, #tpu.memory_space<hbm>>
    %dma_start3A_71 = tpu.memref_slice %arg7[%dma_start3A_61] : memref<4x!tpu.dma_semaphore, #tpu.memory_space<semaphore_mem>> -> memref<1x!tpu.dma_semaphore, #tpu.memory_space<semaphore_mem>>
    %dma_start3A_72 = tpu.memref_squeeze %dma_start3A_71 : memref<1x!tpu.dma_semaphore, #tpu.memory_space<semaphore_mem>> -> memref<!tpu.dma_semaphore, #tpu.memory_space<semaphore_mem>>
    tpu.enqueue_indirect_dma source(%dma_start3A_70 : memref<100000x1024xf32, #tpu.memory_space<hbm>>) target(%dma_start3A_65 : memref<16x1024xf32, #tpu.memory_space<vmem>>) offsets(%dma_start3A_67 : memref<16xi32, #tpu.memory_space<vmem>>) semaphore(%dma_start3A_72 : memref<!tpu.dma_semaphore, #tpu.memory_space<semaphore_mem>>)
    %scan3A = arith.constant 0 : i32
    %scan3A_73 = arith.constant 16 : i32
    %scan3A_74 = arith.addi %scan3A, %scan3A_73 : i32
    %scan3A_75 = arith.constant 1 : i32
    scf.for %scan3A_77 = %scan3A to %scan3A_74 step %scan3A_75  : i32 {
      %mul3A_78 = arith.constant 4 : i32
      %mul3A_79 = arith.muli %scan3A_77, %mul3A_78 : i32
      %add3A_80 = arith.constant 0 : i32
      %add3A_81 = arith.addi %add3A_80, %mul3A_79 : i32
      %add3A_82 = arith.constant 0 : i32
      %add3A_83 = arith.addi %add3A_81, %add3A_82 : i32
      %mul3A_84 = arith.constant 16 : i32
      %mul3A_85 = arith.muli %add3A_83, %mul3A_84 : i32
      %dma_wait3A = arith.constant 0 : i32
      %dma_wait3A_86 = arith.constant 0 : i32
      %dma_wait3A_87 = arith.constant 0 : i32
      %dma_wait3A_88 = arith.constant 0 : i32
      %dma_wait3A_89 = tpu.memref_slice %arg6[%dma_wait3A, %dma_wait3A_87, %dma_wait3A_88] : memref<4x16x1024xf32, #tpu.memory_space<vmem>> -> memref<1x16x1024xf32, #tpu.memory_space<vmem>>
      %dma_wait3A_90 = tpu.memref_squeeze %dma_wait3A_89 : memref<1x16x1024xf32, #tpu.memory_space<vmem>> -> memref<16x1024xf32, #tpu.memory_space<vmem>>
      %dma_wait3A_91 = tpu.memref_slice %arg5[%mul3A_85] : memref<1024xi32, #tpu.memory_space<vmem>> -> memref<16xi32, #tpu.memory_space<vmem>>
      %dma_wait3A_92 = arith.constant 0 : i32
      %dma_wait3A_93 = arith.constant 0 : i32
      %dma_wait3A_94 = tpu.memref_slice %arg3[%dma_wait3A_92, %dma_wait3A_93] : memref<100000x1024xf32, #tpu.memory_space<hbm>> -> memref<100000x1024xf32, #tpu.memory_space<hbm>>
      %dma_wait3A_95 = tpu.memref_slice %arg7[%dma_wait3A_86] : memref<4x!tpu.dma_semaphore, #tpu.memory_space<semaphore_mem>> -> memref<1x!tpu.dma_semaphore, #tpu.memory_space<semaphore_mem>>
      %dma_wait3A_96 = tpu.memref_squeeze %dma_wait3A_95 : memref<1x!tpu.dma_semaphore, #tpu.memory_space<semaphore_mem>> -> memref<!tpu.dma_semaphore, #tpu.memory_space<semaphore_mem>>
      tpu.wait_indirect_dma semaphore(%dma_wait3A_96 : memref<!tpu.dma_semaphore, #tpu.memory_space<semaphore_mem>>) src(%dma_wait3A_94 : memref<100000x1024xf32, #tpu.memory_space<hbm>>) dst(%dma_wait3A_90 : memref<16x1024xf32, #tpu.memory_space<vmem>>)
      %mul3A_97 = arith.constant 16 : i32
      %mul3A_98 = arith.muli %add3A_83, %mul3A_97 : i32
      %add3A_99 = arith.addi %mul3A_2, %mul3A_98 : i32
      %run_scoped3A = arith.constant 0 : i32
      "tpu.region"() ({
        %run_scoped3A_186 = tpu.sem_alloc : memref<!tpu.dma_semaphore, #tpu.memory_space<semaphore_mem>>
        %dma_start3A_187 = arith.constant 0 : i32
        %dma_start3A_188 = arith.constant 0 : i32
        %dma_start3A_189 = tpu.memref_slice %arg6[%run_scoped3A, %dma_start3A_187, %dma_start3A_188] : memref<4x16x1024xf32, #tpu.memory_space<vmem>> -> memref<1x16x1024xf32, #tpu.memory_space<vmem>>
        %dma_start3A_190 = tpu.memref_squeeze %dma_start3A_189 : memref<1x16x1024xf32, #tpu.memory_space<vmem>> -> memref<16x1024xf32, #tpu.memory_space<vmem>>
        %dma_start3A_191 = arith.constant 0 : i32
        %dma_start3A_192 = tpu.memref_slice %arg4[%add3A_99, %dma_start3A_191] : memref<32768x1024xf32, #tpu.memory_space<hbm>> -> memref<16x1024xf32, #tpu.memory_space<hbm>>
        %dma_start3A_193 = arith.constant 0 : i32
        %dma_start3A_194 = tpu.memref_slice %arg4[%add3A_99, %dma_start3A_193] : memref<32768x1024xf32, #tpu.memory_space<hbm>> -> memref<16x1024xf32, #tpu.memory_space<hbm>>
        %dma_start3A_195 = arith.constant 0 : i32
        %dma_start3A_196 = arith.constant 0 : i32
        %dma_start3A_197 = tpu.memref_slice %arg6[%run_scoped3A, %dma_start3A_195, %dma_start3A_196] : memref<4x16x1024xf32, #tpu.memory_space<vmem>> -> memref<1x16x1024xf32, #tpu.memory_space<vmem>>
        %dma_start3A_198 = tpu.memref_squeeze %dma_start3A_197 : memref<1x16x1024xf32, #tpu.memory_space<vmem>> -> memref<16x1024xf32, #tpu.memory_space<vmem>>
        tpu.enqueue_dma source(%dma_start3A_198 : memref<16x1024xf32, #tpu.memory_space<vmem>>) target(%dma_start3A_194 : memref<16x1024xf32, #tpu.memory_space<hbm>>) target_semaphore(%run_scoped3A_186 : memref<!tpu.dma_semaphore, #tpu.memory_space<semaphore_mem>>)
        %dma_wait3A_199 = arith.constant 0 : i32
        %dma_wait3A_200 = arith.constant 0 : i32
        %dma_wait3A_201 = tpu.memref_slice %arg6[%run_scoped3A, %dma_wait3A_199, %dma_wait3A_200] : memref<4x16x1024xf32, #tpu.memory_space<vmem>> -> memref<1x16x1024xf32, #tpu.memory_space<vmem>>
        %dma_wait3A_202 = tpu.memref_squeeze %dma_wait3A_201 : memref<1x16x1024xf32, #tpu.memory_space<vmem>> -> memref<16x1024xf32, #tpu.memory_space<vmem>>
        %dma_wait3A_203 = arith.constant 0 : i32
        %dma_wait3A_204 = tpu.memref_slice %arg4[%add3A_99, %dma_wait3A_203] : memref<32768x1024xf32, #tpu.memory_space<hbm>> -> memref<16x1024xf32, #tpu.memory_space<hbm>>
        %dma_wait3A_205 = arith.constant 0 : i32
        %dma_wait3A_206 = tpu.memref_slice %arg4[%add3A_99, %dma_wait3A_205] : memref<32768x1024xf32, #tpu.memory_space<hbm>> -> memref<16x1024xf32, #tpu.memory_space<hbm>>
        %dma_wait3A_207 = arith.constant 0 : i32
        %dma_wait3A_208 = arith.constant 0 : i32
        %dma_wait3A_209 = tpu.memref_slice %arg6[%run_scoped3A, %dma_wait3A_207, %dma_wait3A_208] : memref<4x16x1024xf32, #tpu.memory_space<vmem>> -> memref<1x16x1024xf32, #tpu.memory_space<vmem>>
        %dma_wait3A_210 = tpu.memref_squeeze %dma_wait3A_209 : memref<1x16x1024xf32, #tpu.memory_space<vmem>> -> memref<16x1024xf32, #tpu.memory_space<vmem>>
        tpu.wait_dma2 semaphore(%run_scoped3A_186 : memref<!tpu.dma_semaphore, #tpu.memory_space<semaphore_mem>>) src(%dma_wait3A_210 : memref<16x1024xf32, #tpu.memory_space<vmem>>) dst(%dma_wait3A_206 : memref<16x1024xf32, #tpu.memory_space<hbm>>)
        tpu.yield
      }) : () -> ()
      %add3A_100 = arith.constant 3 : i32
      %add3A_101 = arith.addi %add3A_83, %add3A_100 : i32
      %lt3A_102 = arith.constant 64 : i32
      %lt3A_103 = arith.cmpi slt, %add3A_101, %lt3A_102 : i32
      %convert_element_type3A = arith.extui %lt3A_103 : i1 to i32
      %cond3A = arith.constant 0 : i32
      %cond3A_104 = arith.cmpi ne, %convert_element_type3A, %cond3A : i32
      scf.if %cond3A_104 {
        %mul3A_186 = arith.constant 16 : i32
        %mul3A_187 = arith.muli %add3A_101, %mul3A_186 : i32
        %dma_start3A_188 = arith.constant 3 : i32
        %dma_start3A_189 = arith.constant 3 : i32
        %dma_start3A_190 = arith.constant 0 : i32
        %dma_start3A_191 = arith.constant 0 : i32
        %dma_start3A_192 = tpu.memref_slice %arg6[%dma_start3A_188, %dma_start3A_190, %dma_start3A_191] : memref<4x16x1024xf32, #tpu.memory_space<vmem>> -> memref<1x16x1024xf32, #tpu.memory_space<vmem>>
        %dma_start3A_193 = tpu.memref_squeeze %dma_start3A_192 : memref<1x16x1024xf32, #tpu.memory_space<vmem>> -> memref<16x1024xf32, #tpu.memory_space<vmem>>
        %dma_start3A_194 = tpu.memref_slice %arg5[%mul3A_187] : memref<1024xi32, #tpu.memory_space<vmem>> -> memref<16xi32, #tpu.memory_space<vmem>>
        %dma_start3A_195 = arith.constant 0 : i32
        %dma_start3A_196 = arith.constant 0 : i32
        %dma_start3A_197 = tpu.memref_slice %arg3[%dma_start3A_195, %dma_start3A_196] : memref<100000x1024xf32, #tpu.memory_space<hbm>> -> memref<100000x1024xf32, #tpu.memory_space<hbm>>
        %dma_start3A_198 = tpu.memref_slice %arg7[%dma_start3A_189] : memref<4x!tpu.dma_semaphore, #tpu.memory_space<semaphore_mem>> -> memref<1x!tpu.dma_semaphore, #tpu.memory_space<semaphore_mem>>
        %dma_start3A_199 = tpu.memref_squeeze %dma_start3A_198 : memref<1x!tpu.dma_semaphore, #tpu.memory_space<semaphore_mem>> -> memref<!tpu.dma_semaphore, #tpu.memory_space<semaphore_mem>>
        tpu.enqueue_indirect_dma source(%dma_start3A_197 : memref<100000x1024xf32, #tpu.memory_space<hbm>>) target(%dma_start3A_193 : memref<16x1024xf32, #tpu.memory_space<vmem>>) offsets(%dma_start3A_194 : memref<16xi32, #tpu.memory_space<vmem>>) semaphore(%dma_start3A_199 : memref<!tpu.dma_semaphore, #tpu.memory_space<semaphore_mem>>)
      } else {
      }
      %add3A_105 = arith.constant 1 : i32
      %add3A_106 = arith.addi %add3A_81, %add3A_105 : i32
      %mul3A_107 = arith.constant 16 : i32
      %mul3A_108 = arith.muli %add3A_106, %mul3A_107 : i32
      %dma_wait3A_109 = arith.constant 1 : i32
      %dma_wait3A_110 = arith.constant 1 : i32
      %dma_wait3A_111 = arith.constant 0 : i32
      %dma_wait3A_112 = arith.constant 0 : i32
      %dma_wait3A_113 = tpu.memref_slice %arg6[%dma_wait3A_109, %dma_wait3A_111, %dma_wait3A_112] : memref<4x16x1024xf32, #tpu.memory_space<vmem>> -> memref<1x16x1024xf32, #tpu.memory_space<vmem>>
      %dma_wait3A_114 = tpu.memref_squeeze %dma_wait3A_113 : memref<1x16x1024xf32, #tpu.memory_space<vmem>> -> memref<16x1024xf32, #tpu.memory_space<vmem>>
      %dma_wait3A_115 = tpu.memref_slice %arg5[%mul3A_108] : memref<1024xi32, #tpu.memory_space<vmem>> -> memref<16xi32, #tpu.memory_space<vmem>>
      %dma_wait3A_116 = arith.constant 0 : i32
      %dma_wait3A_117 = arith.constant 0 : i32
      %dma_wait3A_118 = tpu.memref_slice %arg3[%dma_wait3A_116, %dma_wait3A_117] : memref<100000x1024xf32, #tpu.memory_space<hbm>> -> memref<100000x1024xf32, #tpu.memory_space<hbm>>
      %dma_wait3A_119 = tpu.memref_slice %arg7[%dma_wait3A_110] : memref<4x!tpu.dma_semaphore, #tpu.memory_space<semaphore_mem>> -> memref<1x!tpu.dma_semaphore, #tpu.memory_space<semaphore_mem>>
      %dma_wait3A_120 = tpu.memref_squeeze %dma_wait3A_119 : memref<1x!tpu.dma_semaphore, #tpu.memory_space<semaphore_mem>> -> memref<!tpu.dma_semaphore, #tpu.memory_space<semaphore_mem>>
      tpu.wait_indirect_dma semaphore(%dma_wait3A_120 : memref<!tpu.dma_semaphore, #tpu.memory_space<semaphore_mem>>) src(%dma_wait3A_118 : memref<100000x1024xf32, #tpu.memory_space<hbm>>) dst(%dma_wait3A_114 : memref<16x1024xf32, #tpu.memory_space<vmem>>)
      %mul3A_121 = arith.constant 16 : i32
      %mul3A_122 = arith.muli %add3A_106, %mul3A_121 : i32
      %add3A_123 = arith.addi %mul3A_2, %mul3A_122 : i32
      %run_scoped3A_124 = arith.constant 1 : i32
      "tpu.region"() ({
        %run_scoped3A_186 = tpu.sem_alloc : memref<!tpu.dma_semaphore, #tpu.memory_space<semaphore_mem>>
        %dma_start3A_187 = arith.constant 0 : i32
        %dma_start3A_188 = arith.constant 0 : i32
        %dma_start3A_189 = tpu.memref_slice %arg6[%run_scoped3A_124, %dma_start3A_187, %dma_start3A_188] : memref<4x16x1024xf32, #tpu.memory_space<vmem>> -> memref<1x16x1024xf32, #tpu.memory_space<vmem>>
        %dma_start3A_190 = tpu.memref_squeeze %dma_start3A_189 : memref<1x16x1024xf32, #tpu.memory_space<vmem>> -> memref<16x1024xf32, #tpu.memory_space<vmem>>
        %dma_start3A_191 = arith.constant 0 : i32
        %dma_start3A_192 = tpu.memref_slice %arg4[%add3A_123, %dma_start3A_191] : memref<32768x1024xf32, #tpu.memory_space<hbm>> -> memref<16x1024xf32, #tpu.memory_space<hbm>>
        %dma_start3A_193 = arith.constant 0 : i32
        %dma_start3A_194 = tpu.memref_slice %arg4[%add3A_123, %dma_start3A_193] : memref<32768x1024xf32, #tpu.memory_space<hbm>> -> memref<16x1024xf32, #tpu.memory_space<hbm>>
        %dma_start3A_195 = arith.constant 0 : i32
        %dma_start3A_196 = arith.constant 0 : i32
        %dma_start3A_197 = tpu.memref_slice %arg6[%run_scoped3A_124, %dma_start3A_195, %dma_start3A_196] : memref<4x16x1024xf32, #tpu.memory_space<vmem>> -> memref<1x16x1024xf32, #tpu.memory_space<vmem>>
        %dma_start3A_198 = tpu.memref_squeeze %dma_start3A_197 : memref<1x16x1024xf32, #tpu.memory_space<vmem>> -> memref<16x1024xf32, #tpu.memory_space<vmem>>
        tpu.enqueue_dma source(%dma_start3A_198 : memref<16x1024xf32, #tpu.memory_space<vmem>>) target(%dma_start3A_194 : memref<16x1024xf32, #tpu.memory_space<hbm>>) target_semaphore(%run_scoped3A_186 : memref<!tpu.dma_semaphore, #tpu.memory_space<semaphore_mem>>)
        %dma_wait3A_199 = arith.constant 0 : i32
        %dma_wait3A_200 = arith.constant 0 : i32
        %dma_wait3A_201 = tpu.memref_slice %arg6[%run_scoped3A_124, %dma_wait3A_199, %dma_wait3A_200] : memref<4x16x1024xf32, #tpu.memory_space<vmem>> -> memref<1x16x1024xf32, #tpu.memory_space<vmem>>
        %dma_wait3A_202 = tpu.memref_squeeze %dma_wait3A_201 : memref<1x16x1024xf32, #tpu.memory_space<vmem>> -> memref<16x1024xf32, #tpu.memory_space<vmem>>
        %dma_wait3A_203 = arith.constant 0 : i32
        %dma_wait3A_204 = tpu.memref_slice %arg4[%add3A_123, %dma_wait3A_203] : memref<32768x1024xf32, #tpu.memory_space<hbm>> -> memref<16x1024xf32, #tpu.memory_space<hbm>>
        %dma_wait3A_205 = arith.constant 0 : i32
        %dma_wait3A_206 = tpu.memref_slice %arg4[%add3A_123, %dma_wait3A_205] : memref<32768x1024xf32, #tpu.memory_space<hbm>> -> memref<16x1024xf32, #tpu.memory_space<hbm>>
        %dma_wait3A_207 = arith.constant 0 : i32
        %dma_wait3A_208 = arith.constant 0 : i32
        %dma_wait3A_209 = tpu.memref_slice %arg6[%run_scoped3A_124, %dma_wait3A_207, %dma_wait3A_208] : memref<4x16x1024xf32, #tpu.memory_space<vmem>> -> memref<1x16x1024xf32, #tpu.memory_space<vmem>>
        %dma_wait3A_210 = tpu.memref_squeeze %dma_wait3A_209 : memref<1x16x1024xf32, #tpu.memory_space<vmem>> -> memref<16x1024xf32, #tpu.memory_space<vmem>>
        tpu.wait_dma2 semaphore(%run_scoped3A_186 : memref<!tpu.dma_semaphore, #tpu.memory_space<semaphore_mem>>) src(%dma_wait3A_210 : memref<16x1024xf32, #tpu.memory_space<vmem>>) dst(%dma_wait3A_206 : memref<16x1024xf32, #tpu.memory_space<hbm>>)
        tpu.yield
      }) : () -> ()
      %add3A_125 = arith.constant 3 : i32
      %add3A_126 = arith.addi %add3A_106, %add3A_125 : i32
      %lt3A_127 = arith.constant 64 : i32
      %lt3A_128 = arith.cmpi slt, %add3A_126, %lt3A_127 : i32
      %convert_element_type3A_129 = arith.extui %lt3A_128 : i1 to i32
      %cond3A_130 = arith.constant 0 : i32
      %cond3A_131 = arith.cmpi ne, %convert_element_type3A_129, %cond3A_130 : i32
      scf.if %cond3A_131 {
        %mul3A_186 = arith.constant 16 : i32
        %mul3A_187 = arith.muli %add3A_126, %mul3A_186 : i32
        %dma_start3A_188 = arith.constant 0 : i32
        %dma_start3A_189 = arith.constant 0 : i32
        %dma_start3A_190 = arith.constant 0 : i32
        %dma_start3A_191 = arith.constant 0 : i32
        %dma_start3A_192 = tpu.memref_slice %arg6[%dma_start3A_188, %dma_start3A_190, %dma_start3A_191] : memref<4x16x1024xf32, #tpu.memory_space<vmem>> -> memref<1x16x1024xf32, #tpu.memory_space<vmem>>
        %dma_start3A_193 = tpu.memref_squeeze %dma_start3A_192 : memref<1x16x1024xf32, #tpu.memory_space<vmem>> -> memref<16x1024xf32, #tpu.memory_space<vmem>>
        %dma_start3A_194 = tpu.memref_slice %arg5[%mul3A_187] : memref<1024xi32, #tpu.memory_space<vmem>> -> memref<16xi32, #tpu.memory_space<vmem>>
        %dma_start3A_195 = arith.constant 0 : i32
        %dma_start3A_196 = arith.constant 0 : i32
        %dma_start3A_197 = tpu.memref_slice %arg3[%dma_start3A_195, %dma_start3A_196] : memref<100000x1024xf32, #tpu.memory_space<hbm>> -> memref<100000x1024xf32, #tpu.memory_space<hbm>>
        %dma_start3A_198 = tpu.memref_slice %arg7[%dma_start3A_189] : memref<4x!tpu.dma_semaphore, #tpu.memory_space<semaphore_mem>> -> memref<1x!tpu.dma_semaphore, #tpu.memory_space<semaphore_mem>>
        %dma_start3A_199 = tpu.memref_squeeze %dma_start3A_198 : memref<1x!tpu.dma_semaphore, #tpu.memory_space<semaphore_mem>> -> memref<!tpu.dma_semaphore, #tpu.memory_space<semaphore_mem>>
        tpu.enqueue_indirect_dma source(%dma_start3A_197 : memref<100000x1024xf32, #tpu.memory_space<hbm>>) target(%dma_start3A_193 : memref<16x1024xf32, #tpu.memory_space<vmem>>) offsets(%dma_start3A_194 : memref<16xi32, #tpu.memory_space<vmem>>) semaphore(%dma_start3A_199 : memref<!tpu.dma_semaphore, #tpu.memory_space<semaphore_mem>>)
      } else {
      }
      %add3A_132 = arith.constant 2 : i32
      %add3A_133 = arith.addi %add3A_81, %add3A_132 : i32
      %mul3A_134 = arith.constant 16 : i32
      %mul3A_135 = arith.muli %add3A_133, %mul3A_134 : i32
      %dma_wait3A_136 = arith.constant 2 : i32
      %dma_wait3A_137 = arith.constant 2 : i32
      %dma_wait3A_138 = arith.constant 0 : i32
      %dma_wait3A_139 = arith.constant 0 : i32
      %dma_wait3A_140 = tpu.memref_slice %arg6[%dma_wait3A_136, %dma_wait3A_138, %dma_wait3A_139] : memref<4x16x1024xf32, #tpu.memory_space<vmem>> -> memref<1x16x1024xf32, #tpu.memory_space<vmem>>
      %dma_wait3A_141 = tpu.memref_squeeze %dma_wait3A_140 : memref<1x16x1024xf32, #tpu.memory_space<vmem>> -> memref<16x1024xf32, #tpu.memory_space<vmem>>
      %dma_wait3A_142 = tpu.memref_slice %arg5[%mul3A_135] : memref<1024xi32, #tpu.memory_space<vmem>> -> memref<16xi32, #tpu.memory_space<vmem>>
      %dma_wait3A_143 = arith.constant 0 : i32
      %dma_wait3A_144 = arith.constant 0 : i32
      %dma_wait3A_145 = tpu.memref_slice %arg3[%dma_wait3A_143, %dma_wait3A_144] : memref<100000x1024xf32, #tpu.memory_space<hbm>> -> memref<100000x1024xf32, #tpu.memory_space<hbm>>
      %dma_wait3A_146 = tpu.memref_slice %arg7[%dma_wait3A_137] : memref<4x!tpu.dma_semaphore, #tpu.memory_space<semaphore_mem>> -> memref<1x!tpu.dma_semaphore, #tpu.memory_space<semaphore_mem>>
      %dma_wait3A_147 = tpu.memref_squeeze %dma_wait3A_146 : memref<1x!tpu.dma_semaphore, #tpu.memory_space<semaphore_mem>> -> memref<!tpu.dma_semaphore, #tpu.memory_space<semaphore_mem>>
      tpu.wait_indirect_dma semaphore(%dma_wait3A_147 : memref<!tpu.dma_semaphore, #tpu.memory_space<semaphore_mem>>) src(%dma_wait3A_145 : memref<100000x1024xf32, #tpu.memory_space<hbm>>) dst(%dma_wait3A_141 : memref<16x1024xf32, #tpu.memory_space<vmem>>)
      %mul3A_148 = arith.constant 16 : i32
      %mul3A_149 = arith.muli %add3A_133, %mul3A_148 : i32
      %add3A_150 = arith.addi %mul3A_2, %mul3A_149 : i32
      %run_scoped3A_151 = arith.constant 2 : i32
      "tpu.region"() ({
        %run_scoped3A_186 = tpu.sem_alloc : memref<!tpu.dma_semaphore, #tpu.memory_space<semaphore_mem>>
        %dma_start3A_187 = arith.constant 0 : i32
        %dma_start3A_188 = arith.constant 0 : i32
        %dma_start3A_189 = tpu.memref_slice %arg6[%run_scoped3A_151, %dma_start3A_187, %dma_start3A_188] : memref<4x16x1024xf32, #tpu.memory_space<vmem>> -> memref<1x16x1024xf32, #tpu.memory_space<vmem>>
        %dma_start3A_190 = tpu.memref_squeeze %dma_start3A_189 : memref<1x16x1024xf32, #tpu.memory_space<vmem>> -> memref<16x1024xf32, #tpu.memory_space<vmem>>
        %dma_start3A_191 = arith.constant 0 : i32
        %dma_start3A_192 = tpu.memref_slice %arg4[%add3A_150, %dma_start3A_191] : memref<32768x1024xf32, #tpu.memory_space<hbm>> -> memref<16x1024xf32, #tpu.memory_space<hbm>>
        %dma_start3A_193 = arith.constant 0 : i32
        %dma_start3A_194 = tpu.memref_slice %arg4[%add3A_150, %dma_start3A_193] : memref<32768x1024xf32, #tpu.memory_space<hbm>> -> memref<16x1024xf32, #tpu.memory_space<hbm>>
        %dma_start3A_195 = arith.constant 0 : i32
        %dma_start3A_196 = arith.constant 0 : i32
        %dma_start3A_197 = tpu.memref_slice %arg6[%run_scoped3A_151, %dma_start3A_195, %dma_start3A_196] : memref<4x16x1024xf32, #tpu.memory_space<vmem>> -> memref<1x16x1024xf32, #tpu.memory_space<vmem>>
        %dma_start3A_198 = tpu.memref_squeeze %dma_start3A_197 : memref<1x16x1024xf32, #tpu.memory_space<vmem>> -> memref<16x1024xf32, #tpu.memory_space<vmem>>
        tpu.enqueue_dma source(%dma_start3A_198 : memref<16x1024xf32, #tpu.memory_space<vmem>>) target(%dma_start3A_194 : memref<16x1024xf32, #tpu.memory_space<hbm>>) target_semaphore(%run_scoped3A_186 : memref<!tpu.dma_semaphore, #tpu.memory_space<semaphore_mem>>)
        %dma_wait3A_199 = arith.constant 0 : i32
        %dma_wait3A_200 = arith.constant 0 : i32
        %dma_wait3A_201 = tpu.memref_slice %arg6[%run_scoped3A_151, %dma_wait3A_199, %dma_wait3A_200] : memref<4x16x1024xf32, #tpu.memory_space<vmem>> -> memref<1x16x1024xf32, #tpu.memory_space<vmem>>
        %dma_wait3A_202 = tpu.memref_squeeze %dma_wait3A_201 : memref<1x16x1024xf32, #tpu.memory_space<vmem>> -> memref<16x1024xf32, #tpu.memory_space<vmem>>
        %dma_wait3A_203 = arith.constant 0 : i32
        %dma_wait3A_204 = tpu.memref_slice %arg4[%add3A_150, %dma_wait3A_203] : memref<32768x1024xf32, #tpu.memory_space<hbm>> -> memref<16x1024xf32, #tpu.memory_space<hbm>>
        %dma_wait3A_205 = arith.constant 0 : i32
        %dma_wait3A_206 = tpu.memref_slice %arg4[%add3A_150, %dma_wait3A_205] : memref<32768x1024xf32, #tpu.memory_space<hbm>> -> memref<16x1024xf32, #tpu.memory_space<hbm>>
        %dma_wait3A_207 = arith.constant 0 : i32
        %dma_wait3A_208 = arith.constant 0 : i32
        %dma_wait3A_209 = tpu.memref_slice %arg6[%run_scoped3A_151, %dma_wait3A_207, %dma_wait3A_208] : memref<4x16x1024xf32, #tpu.memory_space<vmem>> -> memref<1x16x1024xf32, #tpu.memory_space<vmem>>
        %dma_wait3A_210 = tpu.memref_squeeze %dma_wait3A_209 : memref<1x16x1024xf32, #tpu.memory_space<vmem>> -> memref<16x1024xf32, #tpu.memory_space<vmem>>
        tpu.wait_dma2 semaphore(%run_scoped3A_186 : memref<!tpu.dma_semaphore, #tpu.memory_space<semaphore_mem>>) src(%dma_wait3A_210 : memref<16x1024xf32, #tpu.memory_space<vmem>>) dst(%dma_wait3A_206 : memref<16x1024xf32, #tpu.memory_space<hbm>>)
        tpu.yield
      }) : () -> ()
      %add3A_152 = arith.constant 3 : i32
      %add3A_153 = arith.addi %add3A_133, %add3A_152 : i32
      %lt3A_154 = arith.constant 64 : i32
      %lt3A_155 = arith.cmpi slt, %add3A_153, %lt3A_154 : i32
      %convert_element_type3A_156 = arith.extui %lt3A_155 : i1 to i32
      %cond3A_157 = arith.constant 0 : i32
      %cond3A_158 = arith.cmpi ne, %convert_element_type3A_156, %cond3A_157 : i32
      scf.if %cond3A_158 {
        %mul3A_186 = arith.constant 16 : i32
        %mul3A_187 = arith.muli %add3A_153, %mul3A_186 : i32
        %dma_start3A_188 = arith.constant 1 : i32
        %dma_start3A_189 = arith.constant 1 : i32
        %dma_start3A_190 = arith.constant 0 : i32
        %dma_start3A_191 = arith.constant 0 : i32
        %dma_start3A_192 = tpu.memref_slice %arg6[%dma_start3A_188, %dma_start3A_190, %dma_start3A_191] : memref<4x16x1024xf32, #tpu.memory_space<vmem>> -> memref<1x16x1024xf32, #tpu.memory_space<vmem>>
        %dma_start3A_193 = tpu.memref_squeeze %dma_start3A_192 : memref<1x16x1024xf32, #tpu.memory_space<vmem>> -> memref<16x1024xf32, #tpu.memory_space<vmem>>
        %dma_start3A_194 = tpu.memref_slice %arg5[%mul3A_187] : memref<1024xi32, #tpu.memory_space<vmem>> -> memref<16xi32, #tpu.memory_space<vmem>>
        %dma_start3A_195 = arith.constant 0 : i32
        %dma_start3A_196 = arith.constant 0 : i32
        %dma_start3A_197 = tpu.memref_slice %arg3[%dma_start3A_195, %dma_start3A_196] : memref<100000x1024xf32, #tpu.memory_space<hbm>> -> memref<100000x1024xf32, #tpu.memory_space<hbm>>
        %dma_start3A_198 = tpu.memref_slice %arg7[%dma_start3A_189] : memref<4x!tpu.dma_semaphore, #tpu.memory_space<semaphore_mem>> -> memref<1x!tpu.dma_semaphore, #tpu.memory_space<semaphore_mem>>
        %dma_start3A_199 = tpu.memref_squeeze %dma_start3A_198 : memref<1x!tpu.dma_semaphore, #tpu.memory_space<semaphore_mem>> -> memref<!tpu.dma_semaphore, #tpu.memory_space<semaphore_mem>>
        tpu.enqueue_indirect_dma source(%dma_start3A_197 : memref<100000x1024xf32, #tpu.memory_space<hbm>>) target(%dma_start3A_193 : memref<16x1024xf32, #tpu.memory_space<vmem>>) offsets(%dma_start3A_194 : memref<16xi32, #tpu.memory_space<vmem>>) semaphore(%dma_start3A_199 : memref<!tpu.dma_semaphore, #tpu.memory_space<semaphore_mem>>)
      } else {
      }
      %add3A_159 = arith.constant 3 : i32
      %add3A_160 = arith.addi %add3A_81, %add3A_159 : i32
      %mul3A_161 = arith.constant 16 : i32
      %mul3A_162 = arith.muli %add3A_160, %mul3A_161 : i32
      %dma_wait3A_163 = arith.constant 3 : i32
      %dma_wait3A_164 = arith.constant 3 : i32
      %dma_wait3A_165 = arith.constant 0 : i32
      %dma_wait3A_166 = arith.constant 0 : i32
      %dma_wait3A_167 = tpu.memref_slice %arg6[%dma_wait3A_163, %dma_wait3A_165, %dma_wait3A_166] : memref<4x16x1024xf32, #tpu.memory_space<vmem>> -> memref<1x16x1024xf32, #tpu.memory_space<vmem>>
      %dma_wait3A_168 = tpu.memref_squeeze %dma_wait3A_167 : memref<1x16x1024xf32, #tpu.memory_space<vmem>> -> memref<16x1024xf32, #tpu.memory_space<vmem>>
      %dma_wait3A_169 = tpu.memref_slice %arg5[%mul3A_162] : memref<1024xi32, #tpu.memory_space<vmem>> -> memref<16xi32, #tpu.memory_space<vmem>>
      %dma_wait3A_170 = arith.constant 0 : i32
      %dma_wait3A_171 = arith.constant 0 : i32
      %dma_wait3A_172 = tpu.memref_slice %arg3[%dma_wait3A_170, %dma_wait3A_171] : memref<100000x1024xf32, #tpu.memory_space<hbm>> -> memref<100000x1024xf32, #tpu.memory_space<hbm>>
      %dma_wait3A_173 = tpu.memref_slice %arg7[%dma_wait3A_164] : memref<4x!tpu.dma_semaphore, #tpu.memory_space<semaphore_mem>> -> memref<1x!tpu.dma_semaphore, #tpu.memory_space<semaphore_mem>>
      %dma_wait3A_174 = tpu.memref_squeeze %dma_wait3A_173 : memref<1x!tpu.dma_semaphore, #tpu.memory_space<semaphore_mem>> -> memref<!tpu.dma_semaphore, #tpu.memory_space<semaphore_mem>>
      tpu.wait_indirect_dma semaphore(%dma_wait3A_174 : memref<!tpu.dma_semaphore, #tpu.memory_space<semaphore_mem>>) src(%dma_wait3A_172 : memref<100000x1024xf32, #tpu.memory_space<hbm>>) dst(%dma_wait3A_168 : memref<16x1024xf32, #tpu.memory_space<vmem>>)
      %mul3A_175 = arith.constant 16 : i32
      %mul3A_176 = arith.muli %add3A_160, %mul3A_175 : i32
      %add3A_177 = arith.addi %mul3A_2, %mul3A_176 : i32
      %run_scoped3A_178 = arith.constant 3 : i32
      "tpu.region"() ({
        %run_scoped3A_186 = tpu.sem_alloc : memref<!tpu.dma_semaphore, #tpu.memory_space<semaphore_mem>>
        %dma_start3A_187 = arith.constant 0 : i32
        %dma_start3A_188 = arith.constant 0 : i32
        %dma_start3A_189 = tpu.memref_slice %arg6[%run_scoped3A_178, %dma_start3A_187, %dma_start3A_188] : memref<4x16x1024xf32, #tpu.memory_space<vmem>> -> memref<1x16x1024xf32, #tpu.memory_space<vmem>>
        %dma_start3A_190 = tpu.memref_squeeze %dma_start3A_189 : memref<1x16x1024xf32, #tpu.memory_space<vmem>> -> memref<16x1024xf32, #tpu.memory_space<vmem>>
        %dma_start3A_191 = arith.constant 0 : i32
        %dma_start3A_192 = tpu.memref_slice %arg4[%add3A_177, %dma_start3A_191] : memref<32768x1024xf32, #tpu.memory_space<hbm>> -> memref<16x1024xf32, #tpu.memory_space<hbm>>
        %dma_start3A_193 = arith.constant 0 : i32
        %dma_start3A_194 = tpu.memref_slice %arg4[%add3A_177, %dma_start3A_193] : memref<32768x1024xf32, #tpu.memory_space<hbm>> -> memref<16x1024xf32, #tpu.memory_space<hbm>>
        %dma_start3A_195 = arith.constant 0 : i32
        %dma_start3A_196 = arith.constant 0 : i32
        %dma_start3A_197 = tpu.memref_slice %arg6[%run_scoped3A_178, %dma_start3A_195, %dma_start3A_196] : memref<4x16x1024xf32, #tpu.memory_space<vmem>> -> memref<1x16x1024xf32, #tpu.memory_space<vmem>>
        %dma_start3A_198 = tpu.memref_squeeze %dma_start3A_197 : memref<1x16x1024xf32, #tpu.memory_space<vmem>> -> memref<16x1024xf32, #tpu.memory_space<vmem>>
        tpu.enqueue_dma source(%dma_start3A_198 : memref<16x1024xf32, #tpu.memory_space<vmem>>) target(%dma_start3A_194 : memref<16x1024xf32, #tpu.memory_space<hbm>>) target_semaphore(%run_scoped3A_186 : memref<!tpu.dma_semaphore, #tpu.memory_space<semaphore_mem>>)
        %dma_wait3A_199 = arith.constant 0 : i32
        %dma_wait3A_200 = arith.constant 0 : i32
        %dma_wait3A_201 = tpu.memref_slice %arg6[%run_scoped3A_178, %dma_wait3A_199, %dma_wait3A_200] : memref<4x16x1024xf32, #tpu.memory_space<vmem>> -> memref<1x16x1024xf32, #tpu.memory_space<vmem>>
        %dma_wait3A_202 = tpu.memref_squeeze %dma_wait3A_201 : memref<1x16x1024xf32, #tpu.memory_space<vmem>> -> memref<16x1024xf32, #tpu.memory_space<vmem>>
        %dma_wait3A_203 = arith.constant 0 : i32
        %dma_wait3A_204 = tpu.memref_slice %arg4[%add3A_177, %dma_wait3A_203] : memref<32768x1024xf32, #tpu.memory_space<hbm>> -> memref<16x1024xf32, #tpu.memory_space<hbm>>
        %dma_wait3A_205 = arith.constant 0 : i32
        %dma_wait3A_206 = tpu.memref_slice %arg4[%add3A_177, %dma_wait3A_205] : memref<32768x1024xf32, #tpu.memory_space<hbm>> -> memref<16x1024xf32, #tpu.memory_space<hbm>>
        %dma_wait3A_207 = arith.constant 0 : i32
        %dma_wait3A_208 = arith.constant 0 : i32
        %dma_wait3A_209 = tpu.memref_slice %arg6[%run_scoped3A_178, %dma_wait3A_207, %dma_wait3A_208] : memref<4x16x1024xf32, #tpu.memory_space<vmem>> -> memref<1x16x1024xf32, #tpu.memory_space<vmem>>
        %dma_wait3A_210 = tpu.memref_squeeze %dma_wait3A_209 : memref<1x16x1024xf32, #tpu.memory_space<vmem>> -> memref<16x1024xf32, #tpu.memory_space<vmem>>
        tpu.wait_dma2 semaphore(%run_scoped3A_186 : memref<!tpu.dma_semaphore, #tpu.memory_space<semaphore_mem>>) src(%dma_wait3A_210 : memref<16x1024xf32, #tpu.memory_space<vmem>>) dst(%dma_wait3A_206 : memref<16x1024xf32, #tpu.memory_space<hbm>>)
        tpu.yield
      }) : () -> ()
      %add3A_179 = arith.constant 3 : i32
      %add3A_180 = arith.addi %add3A_160, %add3A_179 : i32
      %lt3A_181 = arith.constant 64 : i32
      %lt3A_182 = arith.cmpi slt, %add3A_180, %lt3A_181 : i32
      %convert_element_type3A_183 = arith.extui %lt3A_182 : i1 to i32
      %cond3A_184 = arith.constant 0 : i32
      %cond3A_185 = arith.cmpi ne, %convert_element_type3A_183, %cond3A_184 : i32
      scf.if %cond3A_185 {
        %mul3A_186 = arith.constant 16 : i32
        %mul3A_187 = arith.muli %add3A_180, %mul3A_186 : i32
        %dma_start3A_188 = arith.constant 2 : i32
        %dma_start3A_189 = arith.constant 2 : i32
        %dma_start3A_190 = arith.constant 0 : i32
        %dma_start3A_191 = arith.constant 0 : i32
        %dma_start3A_192 = tpu.memref_slice %arg6[%dma_start3A_188, %dma_start3A_190, %dma_start3A_191] : memref<4x16x1024xf32, #tpu.memory_space<vmem>> -> memref<1x16x1024xf32, #tpu.memory_space<vmem>>
        %dma_start3A_193 = tpu.memref_squeeze %dma_start3A_192 : memref<1x16x1024xf32, #tpu.memory_space<vmem>> -> memref<16x1024xf32, #tpu.memory_space<vmem>>
        %dma_start3A_194 = tpu.memref_slice %arg5[%mul3A_187] : memref<1024xi32, #tpu.memory_space<vmem>> -> memref<16xi32, #tpu.memory_space<vmem>>
        %dma_start3A_195 = arith.constant 0 : i32
        %dma_start3A_196 = arith.constant 0 : i32
        %dma_start3A_197 = tpu.memref_slice %arg3[%dma_start3A_195, %dma_start3A_196] : memref<100000x1024xf32, #tpu.memory_space<hbm>> -> memref<100000x1024xf32, #tpu.memory_space<hbm>>
        %dma_start3A_198 = tpu.memref_slice %arg7[%dma_start3A_189] : memref<4x!tpu.dma_semaphore, #tpu.memory_space<semaphore_mem>> -> memref<1x!tpu.dma_semaphore, #tpu.memory_space<semaphore_mem>>
        %dma_start3A_199 = tpu.memref_squeeze %dma_start3A_198 : memref<1x!tpu.dma_semaphore, #tpu.memory_space<semaphore_mem>> -> memref<!tpu.dma_semaphore, #tpu.memory_space<semaphore_mem>>
        tpu.enqueue_indirect_dma source(%dma_start3A_197 : memref<100000x1024xf32, #tpu.memory_space<hbm>>) target(%dma_start3A_193 : memref<16x1024xf32, #tpu.memory_space<vmem>>) offsets(%dma_start3A_194 : memref<16xi32, #tpu.memory_space<vmem>>) semaphore(%dma_start3A_199 : memref<!tpu.dma_semaphore, #tpu.memory_space<semaphore_mem>>)
      } else {
      }
    }
    %scan3A_76 = arith.constant 16 : i32
    return
  }
}

</mosaic_0001>

<sc_bundles>
// kernel: kernel.3.cloned.1.call-start
scs
__scs_entry_jumppad:
0x0: {  	(pc) =	sbr.rel $0x88, $3  }
0x1: {  	(tag) =	ssettag $0x0;
	lr =	simm.s32 $0x1  }
0x2: {  	[smem:$0x3F9F] =	sst lr;
	_ =	strace $0xD0000000  }
0x3: {  	_ = 	snop  }
0x4: {  	_ = 	snop  }
0x5: {  	_ = 	snop  }
0x6: {  	_ = 	snop  }
0x7: {  	_ = 	snop  }
__scs_overlays_trampoline_lowered:
0x8: {  	[smem:$0x3FAE] =	sst s0  }
0x9: {  	[smem:$0x3FAF] =	sst s1  }
0xa: {  	[smem:$0x3FB0] =	sst s2  }
0xb: {  	[smem:$0x3FB1] =	sst s3  }
0xc: {  	[smem:$0x3FB2] =	sst s4  }
0xd: {  	[smem:$0x3FB3] =	sst s5  }
0xe: {  	[smem:$0x3FB4] =	sst s6  }
0xf: {  	[smem:$0x3FB5] =	sst s7  }
0x10: {  	[smem:$0x3FB6] =	sst s8  }
0x11: {  	[smem:$0x3FB7] =	sst s9;
	s0 =	simm.s32 @!p0 $0x0  }
0x12: {  	s1 =	sld [smem:$0x3F9D];
	s0 =	simm.s32 @p0 $0x1  }
0x13: {  	[smem:$0x3FB8] =	sst s0;
	s0 =	simm.s32 @!p1 $0x0  }
0x14: {  	s2 =	sld [smem:$0x3F9C];
	s0 =	simm.s32 @p1 $0x1  }
0x15: {  	[smem:$0x3FB9] =	sst s0;
	s0 =	simm.s32 @!p2 $0x0  }
0x16: {  	s3 =	sld [smem:$0x3FDB];
	s0 =	simm.s32 @p2 $0x1  }
0x17: {  	s4 =	simm.s32 $0x1BF5;
	[smem:$0x3FBB] =	sst s0  }
0x18: {  	s0 =	sld [smem:$0x3F9E];
	_ =	swait.ge [sflag:s4], $0x0  }
0x19: {  	s7 =	sld [smem:$0x3F9F]  }
0x1a: {  	s8 =	sadd.s32 $0xFFFFE003, lr  }
0x1b: {  	s9 =	sadd.s32 $0xFFFFFEF7, lr;
	s5 =	simm.s32 $0xFFFFFFFF;
	p2 =	slt.u32 s8, $0xFFFFF086  }
0x1c: {  	p1 =	slt.u32 s9, $0xF7A;
	s5 =	simm.s32 @!p2 $0x0  }
0x1d: {  	s5 =	simm.s32 @p1 $0x1;
	p0 =	seq.s32 s7, s2  }
0x1e: {  	s7 =	smul.u32 @!p0 $0xF7A, s2;
	p2 =	seq.s32 @!p0 s5, $0x0  }
0x1f: {  	s9 =	smul.u32 $0xF7A, s1;
	s8 =	simm.s32 @!p0 $0x1BF5;
	p2 =	por !p2, p0  }
0x20: {  	[sflag:s8] =	ssyncset.s32 @!p0 $0xFFFFF086;
	s6 =	sadd.s32 @!p0 s3, s7;
	s7 =	simm.s32 @!p0 $0x108  }
0x21: {  	s3 =	sadd.s32 s3, s9;
	s6 =	sadd.s32 @!p0 $0x88, s6;
	s7 =	simm.s32 @p2 $0x1082  }
0x22: {  	[simem:s7], [sflag:s8] =	dma.local @!p0 [hbm:s6], $0xF7A  }
0x23: {  	s9 =	sor.u32 $0xD0000000, s2;
	s6 =	simm.s32 $0x108;
	_ =	swait.ge @!p0 [sflag:s8], $0x0  }
0x24: {  	s3 =	sadd.s32 $0x88, s3;
	s6 =	simm.s32 @!p1 $0x1082;
	[sflag:s4] =	ssyncset.s32 $0xFFFFF086  }
0x25: {  	[simem:s6], [sflag:s4] =	dma.local [hbm:s3], $0xF7A  }
0x26: {  	[smem:$0x3F9F] =	sst s1;
	(tag) =	ssettag s2;
	_ =	strace s9  }
0x27: {  	s1 =	sld [smem:$0x3FAF]  }
0x28: {  	s2 =	sld [smem:$0x3FB0]  }
0x29: {  	s4 =	sld [smem:$0x3FB2]  }
0x2a: {  	p0 =	seq.s32 s5, $0x0;
	s5 =	sld [smem:$0x3FB3]  }
0x2b: {  	s6 =	sld [smem:$0x3FB4]  }
0x2c: {  	s7 =	sld [smem:$0x3FB5]  }
0x2d: {  	s3 =	simm.s32 $0x108;
	s8 =	sld [smem:$0x3FB6]  }
0x2e: {  	s3 =	simm.s32 @!p0 $0x1082;
	s9 =	sld [smem:$0x3FB7]  }
0x2f: {  	lr =	sadd.s32 s0, s3;
	s0 =	sld [smem:$0x3FAE]  }
0x30: {  	s3 =	sld [smem:$0x3FB1]  }
0x31: {  	[smem:$0x3FBA] =	sst s10  }
0x32: {  	s10 =	sld [smem:$0x3FB8];
	_ =	sdelay $0x3  }
0x33: {  	p0 =	seq.s32 s10, $0x1;
	s10 =	sld [smem:$0x3FBA];
	_ =	sdelay $0x3  }
0x34: {  	[smem:$0x3FBA] =	sst s10  }
0x35: {  	s10 =	sld [smem:$0x3FB9];
	_ =	sdelay $0x3  }
0x36: {  	p1 =	seq.s32 s10, $0x1;
	s10 =	sld [smem:$0x3FBA];
	_ =	sdelay $0x3  }
0x37: {  	[smem:$0x3FBA] =	sst s10  }
0x38: {  	s10 =	sld [smem:$0x3FBB]  }
0x39: {  	_ = 	snop;
	(pc) =	sbr.ind lr, $3  }
0x3a: {  	_ = 	snop  }
0x3b: {  	_ = 	snop  }
0x3c: {  	p2 =	seq.s32 s10, $0x1;
	s10 =	sld [smem:$0x3FBA]  }
0x3d: {  	_ =	shalt  }
0x3e: {  	_ =	shalt  }
0x3f: {  	_ =	shalt  }
0x40: {  	_ =	shalt  }
0x41: {  	_ =	shalt  }
0x42: {  	_ =	shalt  }
0x43: {  	_ =	shalt  }
0x44: {  	_ =	shalt  }
0x45: {  	_ =	shalt  }
0x46: {  	_ =	shalt  }
0x47: {  	_ =	shalt  }
0x48: {  	_ =	shalt  }
0x49: {  	_ =	shalt  }
0x4a: {  	_ =	shalt  }
0x4b: {  	_ =	shalt  }
0x4c: {  	_ =	shalt  }
0x4d: {  	_ =	shalt  }
0x4e: {  	_ =	shalt  }
0x4f: {  	_ =	shalt  }
0x50: {  	_ =	shalt  }
0x51: {  	_ =	shalt  }
0x52: {  	_ =	shalt  }
0x53: {  	_ =	shalt  }
0x54: {  	_ =	shalt  }
0x55: {  	_ =	shalt  }
0x56: {  	_ =	shalt  }
0x57: {  	_ =	shalt  }
0x58: {  	_ =	shalt  }
0x59: {  	_ =	shalt  }
0x5a: {  	_ =	shalt  }
0x5b: {  	_ =	shalt  }
0x5c: {  	_ =	shalt  }
0x5d: {  	_ =	shalt  }
0x5e: {  	_ =	shalt  }
0x5f: {  	_ =	shalt  }
0x60: {  	_ =	shalt  }
0x61: {  	_ =	shalt  }
0x62: {  	_ =	shalt  }
0x63: {  	_ =	shalt  }
0x64: {  	_ =	shalt  }
0x65: {  	_ =	shalt  }
0x66: {  	_ =	shalt  }
0x67: {  	_ =	shalt  }
0x68: {  	_ =	shalt  }
0x69: {  	_ =	shalt  }
0x6a: {  	_ =	shalt  }
0x6b: {  	_ =	shalt  }
0x6c: {  	_ =	shalt  }
0x6d: {  	_ =	shalt  }
0x6e: {  	_ =	shalt  }
0x6f: {  	_ =	shalt  }
0x70: {  	_ =	shalt  }
0x71: {  	_ =	shalt  }
0x72: {  	_ =	shalt  }
0x73: {  	_ =	shalt  }
0x74: {  	_ =	shalt  }
0x75: {  	_ =	shalt  }
0x76: {  	_ =	shalt  }
0x77: {  	_ =	shalt  }
0x78: {  	_ =	shalt  }
0x79: {  	_ =	shalt  }
0x7a: {  	_ =	shalt  }
0x7b: {  	_ =	shalt  }
0x7c: {  	_ =	shalt  }
0x7d: {  	_ =	shalt  }
0x7e: {  	_ =	shalt  }
0x7f: {  	_ =	shalt  }
0x80: {  	_ =	shalt  }
0x81: {  	_ =	shalt  }
0x82: {  	_ =	shalt  }
0x83: {  	_ =	shalt  }
0x84: {  	_ =	shalt  }
0x85: {  	_ =	shalt  }
0x86: {  	_ =	shalt  }
0x87: {  	_ =	shalt  }
.Lfunc_end0:
.L_simem_size_0:
called_computation_lowered:
.L_overlay_start_0:
0x88: {  	s2 =	sld [smem:$0x3FD9]  }
0x89: {  	s3 =	sld [smem:$0x3FFE];
	_ =	sdelay $0x1  }
0x8a: {  	s1 =	srdreg.scid  }
0x8b: {  	s0 =	sand.u32 $0x1, s1  }
0x8c: {  	s18 =	sshll.u32 s0, $0xA;
	s2 =	sadd.s32 s3, s2  }
0x8d: {  	s2 =	sadd.s32 s2, s18  }
0x8e: {  	[smem:$0x3FC6] =	sst s2  }
0x8f: {  	_ = 	snop  }
0x90: {  	s2 =	sld [smem:$0x3FC9]  }
0x91: {  	s19 =	sld [smem:$0x3FC8]  }
0x92: {  	s4 =	sld [smem:$0x3FD0];
	(tm) =	ssettm $0x1  }
0x93: {  	s5 =	sld [smem:$0x3FFB];
	_ =	sdelay $0x3  }
0x94: {  	_ =	strace s5  }
0x95: {  	s5 =	sld [smem:$0x3FFC];
	_ =	sdelay $0x3  }
0x96: {  	_ =	strace s5  }
0x97: {  	s5 =	sld [smem:$0x3FFD];
	_ =	sdelay $0x3  }
0x98: {  	_ =	strace s5  }
0x99: {  	_ =	strace $0x8FFFFFFF  }
0x9a: {  	s20 =	sld [smem:$0x3FDB];
	_ =	sdelay $0x1  }
0x9b: {  	s6 =	simm.s32 $_scs_section_size  }
0x9c: {  	s7 =	simm.s32 $_size__tile_overlayer_lowered;
	s8 =	simm.s32 $_tile_overlayer_lowered  }
0x9d: {  	s23 =	simm.s32 $0x1BFF;
	s22 =	sshll.u32 s8, $0x1;
	s5 =	sadd.s32 s6, s20  }
0x9e: {  	s9 =	simm.s32 $0x0;
	s21 =	sshll.u32 s7, $0x1;
	s7 =	sadd.s32 s22, s5  }
0x9f: {  	[timem:s9], [sflag:s23] =	dma.local [hbm:s7], s21  }
0xa0: {  	_ =	swait.ge [sflag:s23], s21  }
0xa1: {  	s6 =	ssub.s32 $0x0, s21;
	[sflag:s23] =	ssyncset.done $0x0  }
0xa2: {  	[sflag:s23] =	ssyncadd.s32 s6;
	_ =	sdelay $0x1  }
0xa3: {  	s24 =	simm.s32 $0x1B8B  }
0xa4: {  	_ =	swait.ge [sflag:s24], $0x1  }
0xa5: {  	[sflag:s24] =	ssyncset.done $0x0  }
0xa6: {  	s25 =	simm.s32 $0x1B8E;
	[sflag:s24] =	ssyncadd.s32 $0xFFFFFFFF  }
0xa7: {  	s26 =	simm.s32 $execute0_lowered;
	[smem:$0x3FD2] =	sst s25  }
0xa8: {  	s6 =	sshll.u32 s26, $0x1;
	_ =	strace $0x80000046;
	[dreg:$0x1] =	wrdreg $0xFFFFFFFF  }
0xa9: {  	s28 =	simm.s32 $_size_execute0_lowered;
	s5 =	sadd.s32 s5, s6;
	[dreg:$0x0] =	wrdreg $0x0  }
0xaa: {  	s6 =	sshll.u32 s28, $0x1;
	[dreg:$0x2] =	wrdreg s5  }
0xab: {  	[dreg:$0x3] =	wrdreg s6  }
0xac: {  	[dreg:$0x4] =	wrdreg $0xC0  }
0xad: {  	_ =	task [dreg:s9], $0x5FFFF  }
0xae: {  	[dreg:$0x1] =	wrdreg $0xFFFFFFFF  }
0xaf: {  	[dreg:$0x0] =	wrdreg $0x60  }
0xb0: {  	[dreg:$0x2] =	wrdreg s2  }
0xb1: {  	[dreg:$0x3] =	wrdreg s19  }
0xb2: {  	[dreg:$0x4] =	wrdreg s4  }
0xb3: {  	[dreg:$0x5] =	wrdreg $0x9  }
0xb4: {  	_ =	task.clear_ibuf [dreg:s9], $0x6FFFF;
	_ =	strace $0x90000046  }
0xb5: {  	s29 =	simm.s32 $0x9;
	_ =	strace $0x80000048  }
0xb6: {  	_ =	swait.ge [sflag:s29], $0x1  }
0xb7: {  	[sflag:s29] =	ssyncadd.s32 $0xFFFFFFFF  }
0xb8: {  	_ =	strace $0x90000048  }
0xb9: {  	_ =	sfence  }
0xba: {  	s30 =	sld [smem:$0x0];
	_ =	sdelay $0x2  }
0xbb: {  	s31 =	sshll.u32 s1, $0xD;
	s1 =	sshrl.u32 s1, $0x2  }
0xbc: {  	s3 =	sand.u32 $0x4000, s31;
	s1 =	sadd.s32 s1, s30  }
0xbd: {  	s0 =	sor.u32 s3, s0;
	s1 =	sshll.u32 s1, $0x11  }
0xbe: {  	s0 =	sor.u32 s1, s0  }
0xbf: {  	s0 =	sadd.s32 $0x8F2B, s0  }
0xc0: {  	[sflag:s0] =	ssyncadd.remote.s32 $0x1  }
0xc1: {  	_ =	sfence.sel $0xFFFF  }
0xc2: {  	[dreg:$0x0] =	wrdreg $0xFFFFFFFF;
	(pc) =	sbr.abs _section_cstart, $3  }
0xc3: {  	[dreg:$0x1] =	wrdreg $0xFFFFFFFF  }
0xc4: {  	_ =	task.clear_ibuf [dreg:s9], $0x2FFFF;
	_ =	strace $0x9FFFFFFF  }
0xc5: {  	(tm) =	ssettm $0x7FFFFFFF  }
tec
execute0_lowered:
.L_overlay_start_1:
0x0: {  	(tag) =	ssettag $0x1  }
0x1: {  	s0 =	rddreg [dreg:$0x0]  }
0x2: {  	s1 =	rddreg [dreg:$0x1]  }
0x3: {  	s2 =	rddreg [dreg:$0x2];
	s3 =	simm.s32 $0x0  }
0x4: {  	s4 =	srdreg.scid;
	s9 =	stileid.u32;
	s12 =	simm.s32 $0x5  }
0x5: {  	s30 =	simm.s32 $0x8400;
	s10 =	simm.s32 $0xA400;
	s11 =	simm.s32 $0xAC00  }
0x6: {  	s14 =	simm.s32 $0xB400;
	s15 =	simm.s32 $0xBC00;
	s16 =	simm.s32 $0x1  }
0x7: {  	s17 =	simm.s32 $0xC400;
	s18 =	simm.s32 $0xCC00;
	s19 =	simm.s32 $0xD400  }
0x8: {  	s20 =	simm.s32 $0xDC00;
	s22 =	simm.s32 $0xE400;
	s28 =	simm.s32 $0x3  }
0x9: {  	s29 =	simm.s32 $0x4;
	[smem:$0x7FF] =	sst s3;
	s4 =	sand.u32 $0x1, s4  }
0xa: {  	s5 =	sshll.u32 s9, $0xA;
	s7 =	sshll.u32 s9, $0x2;
	s25 =	sshll.u32 s9, $0x12  }
0xb: {  	s6 =	sshll.u32 s4, $0x9;
	s8 =	ssub.s32 $0x2, s4;
	s23 =	sand.u32 $0x30, s7  }
0xc: {  	_ =	strace $0x80000047;
	s7 =	sadd.s32 $0x300, s1;
	s26 =	sshll.u32 s4, $0x11  }
0xd: {  	s5 =	sor.u32 s6, s5;
	s24 =	sshrl.u32 s8, $0x1;
	s0 =	sadd.s32 s0, s23  }
0xe: {  	s6 =	sadd.s32 $0x200, s1;
	s23 =	simm.s32 $0xEC00;
	s5 =	sand.u32 $0xE00, s5  }
.Ltmp0:
0xf: {  	s8 =	ssub.s32 s8, s24;
	s24 =	simm.s32 $0xF400;
	(pc) =	sbr.rel .LBB2_1-.Ltmp0, $4  }
0x10: {  	s0 =	sadd.s32 s5, s0;
	s5 =	sadd.s32 $0x100, s1;
	s31 =	smax.u32 s8, $0x1  }
0x11: {  	v2 =	vlaneseq.u32;
	s8 =	simm.s32 $0x0;
	[dreg:$0x4] =	wrdreg s0;
	s0 =	sadd.s32 s25, s2  }
0x12: {  	vm0 =	vmmov $0xffff;
	v1 =	vshrl.u32 v2, $0x3;
	[dreg:$0x5] =	wrdreg s31;
	s2 =	simm.s32 $0x9C00;
	s25 =	simm.s32 $0xFC00  }
0x13: {  	v0 =	vand.u32 $0x7, v2;
	v2 =	vor.u32 $0x8, v2;
	v1 =	vmul.u32 $0x8, v1;
	s9 =	sadd.s32 s26, s0;
	s0 =	simm.s32 $0x9400;
	s26 =	simm.s32 $0x2  }
.LBB2_4:
0x14: {  	s8 =	rddreg [dreg:$0x6]  }
0x15: {  	s4 =	rddreg [dreg:$0x5];
	s8 =	sadd.s32 $0x1, s8  }
0x16: {  	p0 =	sne.s32 s8, s4  }
.Ltmp1:
0x17: {  	_ = 	snop;
	(pc) =	sbr.rel @!p0 .LBB2_5-.Ltmp1, $1  }
0x18: {  	_ =	sdelay $0x3  }
.LBB2_1:
0x19: {  	[dreg:$0x6] =	wrdreg s8  }
0x1a: {  	s4 =	rddreg [dreg:$0x4];
	s21 =	simm.s32 $0x80;
	s13 =	simm.s32 $0x200  }
0x1b: {  	[tilespmem:s3], [sflag:$0x5] =	stream.strided.gather [hbm4b:s4+s21], $0x400, s13, s21, $0x38;
	[tilespmem:$0x10400] =	vst v63  }
0x1c: {  	_ =	swait.ge [sflag:s12], $0x400  }
0x1d: {  	[sflag:s12] =	ssyncset.done $0x0  }
0x1e: {  	[sflag:s12] =	ssyncadd.s32 $0xFFFFFC00  }
0x1f: {  	v3 =	vld [tilespmem:$0x0];
	_ =	sdelay $0x4  }
0x20: {  	v4 =	vshll.u32 v3, $0x3  }
0x21: {  	v3 =	vand.u32 $0x7, v3;
	v4 =	vand.u32 $0xFFFFFFC0, v4  }
0x22: {  	v3 =	vor.u32 v3, v4  }
0x23: {  	v4 =	vperm.xlane v3, v0;
	_ =	sdelay $0x1  }
0x24: {  	v4 =	vadd.s32 v1, v4;
	_ =	sdelay $0x3  }
0x25: {  	s31 =	simm.s32 $0x400  }
0x26: {  	[tilespmem:s31], [sflag:$0x1] =	stream.indirect_vreg.gather [hbm4b:s1+s3], $0x80, v4, vm0, $0xb8;
	[tilespmem:$0x10400] =	vst v63  }
0x27: {  	s8 =	simm.s32 $0xC00;
	v3 =	vperm.xlane v3, v2  }
0x28: {  	[tilespmem:s8], [sflag:$0x1] =	stream.indirect_vreg.gather [hbm4b:s5+s3], $0x80, v4, vm0, $0xb8;
	[tilespmem:$0x10400] =	vst v63  }
0x29: {  	s13 =	simm.s32 $0x1400;
	v3 =	vadd.s32 v1, v3  }
0x2a: {  	[tilespmem:s13], [sflag:$0x1] =	stream.indirect_vreg.gather [hbm4b:s6+s3], $0x80, v4, vm0, $0xb8;
	[tilespmem:$0x10400] =	vst v63  }
0x2b: {  	s21 =	simm.s32 $0x1C00  }
0x2c: {  	[tilespmem:s21], [sflag:$0x1] =	stream.indirect_vreg.gather [hbm4b:s7+s3], $0x80, v4, vm0, $0xb8;
	[tilespmem:$0x10400] =	vst v63  }
0x2d: {  	s31 =	simm.s32 $0x2400  }
0x2e: {  	[tilespmem:s31], [sflag:$0x1] =	stream.indirect_vreg.gather [hbm4b:s1+s3], $0x80, v3, vm0, $0xb8;
	[tilespmem:$0x10400] =	vst v63  }
0x2f: {  	s8 =	simm.s32 $0x2C00  }
0x30: {  	[tilespmem:s8], [sflag:$0x1] =	stream.indirect_vreg.gather [hbm4b:s5+s3], $0x80, v3, vm0, $0xb8;
	[tilespmem:$0x10400] =	vst v63  }
0x31: {  	s13 =	simm.s32 $0x3400  }
0x32: {  	[tilespmem:s13], [sflag:$0x1] =	stream.indirect_vreg.gather [hbm4b:s6+s3], $0x80, v3, vm0, $0xb8;
	[tilespmem:$0x10400] =	vst v63  }
0x33: {  	s21 =	simm.s32 $0x3C00  }
0x34: {  	[tilespmem:s21], [sflag:$0x1] =	stream.indirect_vreg.gather [hbm4b:s7+s3], $0x80, v3, vm0, $0xb8;
	[tilespmem:$0x10400] =	vst v63  }
0x35: {  	v3 =	vld [tilespmem:$0x10];
	_ =	sdelay $0x4  }
0x36: {  	v62 =	vshll.u32 v3, $0x3  }
0x37: {  	v3 =	vand.u32 $0x7, v3;
	v4 =	vand.u32 $0xFFFFFFC0, v62  }
0x38: {  	v3 =	vor.u32 v3, v4  }
0x39: {  	v4 =	vperm.xlane v3, v0;
	_ =	sdelay $0x1  }
0x3a: {  	v4 =	vadd.s32 v1, v4;
	_ =	sdelay $0x3  }
0x3b: {  	s31 =	simm.s32 $0x4400  }
0x3c: {  	[tilespmem:s31], [sflag:$0x2] =	stream.indirect_vreg.gather [hbm4b:s1+s3], $0x80, v4, vm0, $0xb8;
	[tilespmem:$0x10400] =	vst v63  }
0x3d: {  	s8 =	simm.s32 $0x4C00;
	v3 =	vperm.xlane v3, v2  }
0x3e: {  	[tilespmem:s8], [sflag:$0x2] =	stream.indirect_vreg.gather [hbm4b:s5+s3], $0x80, v4, vm0, $0xb8;
	[tilespmem:$0x10400] =	vst v63  }
0x3f: {  	s13 =	simm.s32 $0x5400;
	v3 =	vadd.s32 v1, v3  }
0x40: {  	[tilespmem:s13], [sflag:$0x2] =	stream.indirect_vreg.gather [hbm4b:s6+s3], $0x80, v4, vm0, $0xb8;
	[tilespmem:$0x10400] =	vst v63  }
0x41: {  	s21 =	simm.s32 $0x5C00  }
0x42: {  	[tilespmem:s21], [sflag:$0x2] =	stream.indirect_vreg.gather [hbm4b:s7+s3], $0x80, v4, vm0, $0xb8;
	[tilespmem:$0x10400] =	vst v63  }
0x43: {  	s31 =	simm.s32 $0x6400  }
0x44: {  	[tilespmem:s31], [sflag:$0x2] =	stream.indirect_vreg.gather [hbm4b:s1+s3], $0x80, v3, vm0, $0xb8;
	[tilespmem:$0x10400] =	vst v63  }
0x45: {  	s8 =	simm.s32 $0x6C00  }
0x46: {  	[tilespmem:s8], [sflag:$0x2] =	stream.indirect_vreg.gather [hbm4b:s5+s3], $0x80, v3, vm0, $0xb8;
	[tilespmem:$0x10400] =	vst v63  }
0x47: {  	s13 =	simm.s32 $0x7400  }
0x48: {  	[tilespmem:s13], [sflag:$0x2] =	stream.indirect_vreg.gather [hbm4b:s6+s3], $0x80, v3, vm0, $0xb8;
	[tilespmem:$0x10400] =	vst v63  }
0x49: {  	s21 =	simm.s32 $0x7C00  }
0x4a: {  	[tilespmem:s21], [sflag:$0x2] =	stream.indirect_vreg.gather [hbm4b:s7+s3], $0x80, v3, vm0, $0xb8;
	[tilespmem:$0x10400] =	vst v63  }
0x4b: {  	v3 =	vld [tilespmem:$0x20];
	_ =	sdelay $0x4  }
0x4c: {  	v63 =	vshll.u32 v3, $0x3  }
0x4d: {  	v3 =	vand.u32 $0x7, v3;
	v4 =	vand.u32 $0xFFFFFFC0, v63  }
0x4e: {  	v3 =	vor.u32 v3, v4  }
0x4f: {  	v4 =	vperm.xlane v3, v0;
	_ =	sdelay $0x1  }
0x50: {  	v4 =	vadd.s32 v1, v4;
	_ =	sdelay $0x4  }
0x51: {  	[tilespmem:s30], [sflag:$0x3] =	stream.indirect_vreg.gather [hbm4b:s1+s3], $0x80, v4, vm0, $0xb8;
	[tilespmem:$0x10400] =	vst v63  }
0x52: {  	s31 =	simm.s32 $0x8C00;
	v3 =	vperm.xlane v3, v2  }
0x53: {  	[tilespmem:s31], [sflag:$0x3] =	stream.indirect_vreg.gather [hbm4b:s5+s3], $0x80, v4, vm0, $0xb8;
	[tilespmem:$0x10400] =	vst v63  }
0x54: {  	v3 =	vadd.s32 v1, v3  }
0x55: {  	[tilespmem:s0], [sflag:$0x3] =	stream.indirect_vreg.gather [hbm4b:s6+s3], $0x80, v4, vm0, $0xb8;
	[tilespmem:$0x10400] =	vst v63  }
0x56: {  	_ = 	snop  }
0x57: {  	[tilespmem:s2], [sflag:$0x3] =	stream.indirect_vreg.gather [hbm4b:s7+s3], $0x80, v4, vm0, $0xb8;
	[tilespmem:$0x10400] =	vst v63  }
0x58: {  	_ = 	snop  }
0x59: {  	[tilespmem:s10], [sflag:$0x3] =	stream.indirect_vreg.gather [hbm4b:s1+s3], $0x80, v3, vm0, $0xb8;
	[tilespmem:$0x10400] =	vst v63  }
0x5a: {  	_ = 	snop  }
0x5b: {  	[tilespmem:s11], [sflag:$0x3] =	stream.indirect_vreg.gather [hbm4b:s5+s3], $0x80, v3, vm0, $0xb8;
	[tilespmem:$0x10400] =	vst v63  }
0x5c: {  	_ = 	snop  }
0x5d: {  	[tilespmem:s14], [sflag:$0x3] =	stream.indirect_vreg.gather [hbm4b:s6+s3], $0x80, v3, vm0, $0xb8;
	[tilespmem:$0x10400] =	vst v63  }
0x5e: {  	s4 =	simm.s32 $0x0;
	s8 =	simm.s32 $0x60  }
0x5f: {  	[tilespmem:s15], [sflag:$0x3] =	stream.indirect_vreg.gather [hbm4b:s7+s3], $0x80, v3, vm0, $0xb8;
	[tilespmem:$0x10400] =	vst v63  }
.LBB2_2:
0x60: {  	_ =	swait.ge [sflag:s16], $0x4000  }
0x61: {  	[sflag:s16] =	ssyncset.done $0x0  }
0x62: {  	s13 =	sadd.s32 s4, s9;
	s21 =	simm.s32 $0x400;
	[sflag:s16] =	ssyncadd.s32 $0xFFFFC000  }
0x63: {  	[hbm4b:s13+s3] =	stream.linear.scatter [tilespmem:s21], [sflag:$0x5], $0x4000, $0x38;
	[tilespmem:$0x10400] =	vst v63  }
0x64: {  	_ =	swait.ge [sflag:s12], $0x4000  }
0x65: {  	[sflag:s12] =	ssyncset.done $0x0  }
0x66: {  	[sflag:s12] =	ssyncadd.s32 $0xFFFFC000  }
0x67: {  	v3 =	vld [tilespmem:s8+$0xFFFFFFD0];
	_ =	sdelay $0x4  }
0x68: {  	v4 =	vshll.u32 v3, $0x3  }
0x69: {  	v3 =	vand.u32 $0x7, v3;
	v4 =	vand.u32 $0xFFFFFFC0, v4  }
0x6a: {  	v3 =	vor.u32 v3, v4  }
0x6b: {  	v4 =	vperm.xlane v3, v0;
	_ =	sdelay $0x1  }
0x6c: {  	v4 =	vadd.s32 v1, v4;
	_ =	sdelay $0x4  }
0x6d: {  	[tilespmem:s17], [sflag:$0x4] =	stream.indirect_vreg.gather [hbm4b:s1+s3], $0x80, v4, vm0, $0xb8;
	[tilespmem:$0x10400] =	vst v63  }
0x6e: {  	v3 =	vperm.xlane v3, v2  }
0x6f: {  	[tilespmem:s18], [sflag:$0x4] =	stream.indirect_vreg.gather [hbm4b:s5+s3], $0x80, v4, vm0, $0xb8;
	[tilespmem:$0x10400] =	vst v63  }
0x70: {  	v3 =	vadd.s32 v1, v3  }
0x71: {  	[tilespmem:s19], [sflag:$0x4] =	stream.indirect_vreg.gather [hbm4b:s6+s3], $0x80, v4, vm0, $0xb8;
	[tilespmem:$0x10400] =	vst v63  }
0x72: {  	_ = 	snop  }
0x73: {  	[tilespmem:s20], [sflag:$0x4] =	stream.indirect_vreg.gather [hbm4b:s7+s3], $0x80, v4, vm0, $0xb8;
	[tilespmem:$0x10400] =	vst v63  }
0x74: {  	_ = 	snop  }
0x75: {  	[tilespmem:s22], [sflag:$0x4] =	stream.indirect_vreg.gather [hbm4b:s1+s3], $0x80, v3, vm0, $0xb8;
	[tilespmem:$0x10400] =	vst v63  }
0x76: {  	_ = 	snop  }
0x77: {  	[tilespmem:s23], [sflag:$0x4] =	stream.indirect_vreg.gather [hbm4b:s5+s3], $0x80, v3, vm0, $0xb8;
	[tilespmem:$0x10400] =	vst v63  }
0x78: {  	_ = 	snop  }
0x79: {  	[tilespmem:s24], [sflag:$0x4] =	stream.indirect_vreg.gather [hbm4b:s6+s3], $0x80, v3, vm0, $0xb8;
	[tilespmem:$0x10400] =	vst v63  }
0x7a: {  	_ = 	snop  }
0x7b: {  	[tilespmem:s25], [sflag:$0x4] =	stream.indirect_vreg.gather [hbm4b:s7+s3], $0x80, v3, vm0, $0xb8;
	[tilespmem:$0x10400] =	vst v63  }
0x7c: {  	_ =	swait.ge [sflag:s26], $0x4000  }
0x7d: {  	[sflag:s26] =	ssyncset.done $0x0  }
0x7e: {  	s31 =	simm.s32 $0x4400;
	s21 =	sadd.s32 $0x800, s13;
	[sflag:s26] =	ssyncadd.s32 $0xFFFFC000  }
0x7f: {  	[hbm4b:s21+s3] =	stream.linear.scatter [tilespmem:s31], [sflag:$0x5], $0x4000, $0x38;
	[tilespmem:$0x10400] =	vst v63  }
0x80: {  	_ =	swait.ge [sflag:s12], $0x4000  }
0x81: {  	[sflag:s12] =	ssyncset.done $0x0  }
0x82: {  	p0 =	seq.s32 s4, $0x1E000;
	[sflag:s12] =	ssyncadd.s32 $0xFFFFC000  }
0x83: {  	v3 =	vld @!p0 [tilespmem:s8+$0xFFFFFFE0];
	_ =	sdelay $0x4  }
0x84: {  	v4 =	vshll.u32 @!p0 v3, $0x3  }
0x85: {  	v5 =	vlaneseq.u32 @!p0;
	v3 =	vand.u32 @!p0 $0x7, v3;
	v4 =	vand.u32 @!p0 $0xFFFFFFC0, v4  }
0x86: {  	v6 =	vshrl.u32 @!p0 v5, $0x3;
	v3 =	vor.u32 @!p0 v3, v4;
	v4 =	vand.u32 @!p0 $0x7, v5  }
0x87: {  	v6 =	vmul.u32 @!p0 $0x8, v6;
	v7 =	vperm.xlane @!p0 v3, v4;
	_ =	sdelay $0x1  }
0x88: {  	v7 =	vadd.s32 @!p0 v6, v7;
	_ =	sdelay $0x3  }
0x89: {  	vm1 =	vmmov @!p0 $0xffff;
	s21 =	simm.s32 @!p0 $0x0;
	s31 =	simm.s32 @!p0 $0x400  }
0x8a: {  	v5 =	vor.u32 @!p0 $0x8, v5;
	[tilespmem:s31], [sflag:$0x1] =	stream.indirect_vreg.gather @!p0 [hbm4b:s1+s21], $0x80, v7, vm1, $0xb8;
	[tilespmem:$0x10400] =	vst v63  }
0x8b: {  	v3 =	vperm.xlane @!p0 v3, v5;
	s31 =	simm.s32 @!p0 $0xC00  }
0x8c: {  	[tilespmem:s31], [sflag:$0x1] =	stream.indirect_vreg.gather @!p0 [hbm4b:s5+s21], $0x80, v7, vm1, $0xb8;
	[tilespmem:$0x10400] =	vst v63  }
0x8d: {  	v3 =	vadd.s32 @!p0 v6, v3;
	s31 =	simm.s32 @!p0 $0x1400  }
0x8e: {  	[tilespmem:s31], [sflag:$0x1] =	stream.indirect_vreg.gather @!p0 [hbm4b:s6+s21], $0x80, v7, vm1, $0xb8;
	[tilespmem:$0x10400] =	vst v63  }
0x8f: {  	s31 =	simm.s32 @!p0 $0x1C00  }
0x90: {  	[tilespmem:s31], [sflag:$0x1] =	stream.indirect_vreg.gather @!p0 [hbm4b:s7+s21], $0x80, v7, vm1, $0xb8;
	[tilespmem:$0x10400] =	vst v63  }
0x91: {  	s31 =	simm.s32 @!p0 $0x2400  }
0x92: {  	[tilespmem:s31], [sflag:$0x1] =	stream.indirect_vreg.gather @!p0 [hbm4b:s1+s21], $0x80, v3, vm1, $0xb8;
	[tilespmem:$0x10400] =	vst v63  }
0x93: {  	s31 =	simm.s32 @!p0 $0x2C00  }
0x94: {  	[tilespmem:s31], [sflag:$0x1] =	stream.indirect_vreg.gather @!p0 [hbm4b:s5+s21], $0x80, v3, vm1, $0xb8;
	[tilespmem:$0x10400] =	vst v63  }
0x95: {  	s31 =	simm.s32 @!p0 $0x3400  }
0x96: {  	[tilespmem:s31], [sflag:$0x1] =	stream.indirect_vreg.gather @!p0 [hbm4b:s6+s21], $0x80, v3, vm1, $0xb8;
	[tilespmem:$0x10400] =	vst v63  }
0x97: {  	s31 =	simm.s32 @!p0 $0x3C00  }
0x98: {  	[tilespmem:s31], [sflag:$0x1] =	stream.indirect_vreg.gather @!p0 [hbm4b:s7+s21], $0x80, v3, vm1, $0xb8;
	[tilespmem:$0x10400] =	vst v63  }
0x99: {  	_ =	swait.ge [sflag:s28], $0x4000  }
0x9a: {  	[sflag:s28] =	ssyncset.done $0x0  }
0x9b: {  	s31 =	sadd.s32 $0x1000, s13;
	[sflag:s28] =	ssyncadd.s32 $0xFFFFC000  }
0x9c: {  	[hbm4b:s31+s3] =	stream.linear.scatter [tilespmem:s30], [sflag:$0x5], $0x4000, $0x38;
	[tilespmem:$0x10400] =	vst v63  }
0x9d: {  	_ =	swait.ge [sflag:s12], $0x4000  }
0x9e: {  	[sflag:s12] =	ssyncset.done $0x0  }
0x9f: {  	[sflag:s12] =	ssyncadd.s32 $0xFFFFC000  }
0xa0: {  	v3 =	vld @!p0 [tilespmem:s8+$0xFFFFFFF0];
	_ =	sdelay $0x4  }
0xa1: {  	v7 =	vshll.u32 @!p0 v3, $0x3  }
0xa2: {  	v3 =	vand.u32 @!p0 $0x7, v3;
	v7 =	vand.u32 @!p0 $0xFFFFFFC0, v7  }
0xa3: {  	v3 =	vor.u32 @!p0 v3, v7  }
0xa4: {  	v4 =	vperm.xlane @!p0 v3, v4;
	_ =	sdelay $0x1  }
0xa5: {  	v4 =	vadd.s32 @!p0 v6, v4;
	_ =	sdelay $0x3  }
0xa6: {  	s31 =	simm.s32 @!p0 $0x4400  }
0xa7: {  	[tilespmem:s31], [sflag:$0x2] =	stream.indirect_vreg.gather @!p0 [hbm4b:s1+s21], $0x80, v4, vm1, $0xb8;
	[tilespmem:$0x10400] =	vst v63  }
0xa8: {  	v3 =	vperm.xlane @!p0 v3, v5;
	s31 =	simm.s32 @!p0 $0x4C00  }
0xa9: {  	[tilespmem:s31], [sflag:$0x2] =	stream.indirect_vreg.gather @!p0 [hbm4b:s5+s21], $0x80, v4, vm1, $0xb8;
	[tilespmem:$0x10400] =	vst v63  }
0xaa: {  	v3 =	vadd.s32 @!p0 v6, v3;
	s31 =	simm.s32 @!p0 $0x5400  }
0xab: {  	[tilespmem:s31], [sflag:$0x2] =	stream.indirect_vreg.gather @!p0 [hbm4b:s6+s21], $0x80, v4, vm1, $0xb8;
	[tilespmem:$0x10400] =	vst v63  }
0xac: {  	s31 =	simm.s32 @!p0 $0x5C00  }
0xad: {  	[tilespmem:s31], [sflag:$0x2] =	stream.indirect_vreg.gather @!p0 [hbm4b:s7+s21], $0x80, v4, vm1, $0xb8;
	[tilespmem:$0x10400] =	vst v63  }
0xae: {  	s31 =	simm.s32 @!p0 $0x6400  }
0xaf: {  	[tilespmem:s31], [sflag:$0x2] =	stream.indirect_vreg.gather @!p0 [hbm4b:s1+s21], $0x80, v3, vm1, $0xb8;
	[tilespmem:$0x10400] =	vst v63  }
0xb0: {  	s31 =	simm.s32 @!p0 $0x6C00  }
0xb1: {  	[tilespmem:s31], [sflag:$0x2] =	stream.indirect_vreg.gather @!p0 [hbm4b:s5+s21], $0x80, v3, vm1, $0xb8;
	[tilespmem:$0x10400] =	vst v63  }
0xb2: {  	s31 =	simm.s32 @!p0 $0x7400  }
0xb3: {  	[tilespmem:s31], [sflag:$0x2] =	stream.indirect_vreg.gather @!p0 [hbm4b:s6+s21], $0x80, v3, vm1, $0xb8;
	[tilespmem:$0x10400] =	vst v63  }
0xb4: {  	s31 =	simm.s32 @!p0 $0x7C00  }
0xb5: {  	[tilespmem:s31], [sflag:$0x2] =	stream.indirect_vreg.gather @!p0 [hbm4b:s7+s21], $0x80, v3, vm1, $0xb8;
	[tilespmem:$0x10400] =	vst v63  }
0xb6: {  	_ =	swait.ge [sflag:s29], $0x4000  }
0xb7: {  	[sflag:s29] =	ssyncset.done $0x0  }
.Ltmp2:
0xb8: {  	s13 =	sadd.s32 $0x1800, s13;
	[sflag:s29] =	ssyncadd.s32 $0xFFFFC000;
	(pc) =	sbr.rel @p0 .LBB2_4-.Ltmp2, $4  }
0xb9: {  	[hbm4b:s13+s3] =	stream.linear.scatter [tilespmem:s17], [sflag:$0x5], $0x4000, $0x38;
	[tilespmem:$0x10400] =	vst v63  }
0xba: {  	_ =	swait.ge [sflag:s12], $0x4000  }
0xbb: {  	[sflag:s12] =	ssyncset.done $0x0  }
0xbc: {  	[sflag:s12] =	ssyncadd.s32 $0xFFFFC000  }
0xbd: {  	v3 =	vld [tilespmem:s8+$0x0];
	_ =	sdelay $0x4  }
0xbe: {  	v4 =	vshll.u32 v3, $0x3  }
0xbf: {  	v3 =	vand.u32 $0x7, v3;
	v4 =	vand.u32 $0xFFFFFFC0, v4  }
0xc0: {  	v3 =	vor.u32 v3, v4  }
0xc1: {  	v4 =	vperm.xlane v3, v0;
	_ =	sdelay $0x1  }
0xc2: {  	v4 =	vadd.s32 v1, v4;
	_ =	sdelay $0x4  }
0xc3: {  	[tilespmem:s30], [sflag:$0x3] =	stream.indirect_vreg.gather [hbm4b:s1+s3], $0x80, v4, vm0, $0xb8;
	[tilespmem:$0x10400] =	vst v63  }
0xc4: {  	s13 =	simm.s32 $0x8C00;
	v3 =	vperm.xlane v3, v2  }
0xc5: {  	[tilespmem:s13], [sflag:$0x3] =	stream.indirect_vreg.gather [hbm4b:s5+s3], $0x80, v4, vm0, $0xb8;
	[tilespmem:$0x10400] =	vst v63  }
0xc6: {  	v3 =	vadd.s32 v1, v3  }
0xc7: {  	[tilespmem:s0], [sflag:$0x3] =	stream.indirect_vreg.gather [hbm4b:s6+s3], $0x80, v4, vm0, $0xb8;
	[tilespmem:$0x10400] =	vst v63  }
0xc8: {  	_ = 	snop  }
0xc9: {  	[tilespmem:s2], [sflag:$0x3] =	stream.indirect_vreg.gather [hbm4b:s7+s3], $0x80, v4, vm0, $0xb8;
	[tilespmem:$0x10400] =	vst v63  }
0xca: {  	_ = 	snop  }
0xcb: {  	[tilespmem:s10], [sflag:$0x3] =	stream.indirect_vreg.gather [hbm4b:s1+s3], $0x80, v3, vm0, $0xb8;
	[tilespmem:$0x10400] =	vst v63  }
0xcc: {  	_ = 	snop  }
0xcd: {  	[tilespmem:s11], [sflag:$0x3] =	stream.indirect_vreg.gather [hbm4b:s5+s3], $0x80, v3, vm0, $0xb8;
	[tilespmem:$0x10400] =	vst v63  }
.Ltmp3:
0xce: {  	_ = 	snop;
	(pc) =	sbr.rel .LBB2_2-.Ltmp3, $4  }
0xcf: {  	_ = 	snop  }
0xd0: {  	[tilespmem:s14], [sflag:$0x3] =	stream.indirect_vreg.gather [hbm4b:s6+s3], $0x80, v3, vm0, $0xb8;
	[tilespmem:$0x10400] =	vst v63  }
0xd1: {  	s4 =	sadd.s32 $0x2000, s4;
	s8 =	sadd.s32 $0x40, s8  }
0xd2: {  	[tilespmem:s15], [sflag:$0x3] =	stream.indirect_vreg.gather [hbm4b:s7+s3], $0x80, v3, vm0, $0xb8;
	[tilespmem:$0x10400] =	vst v63  }
.LBB2_5:
0xd3: {  	_ =	sfence.sel $0x180000  }
0xd4: {  	[bflag:$0x0] =	sbarrier.arrive $0xFFFF  }
0xd5: {  	_ =	strace $0x90000047  }
0xd6: {  	s0 =	stileid.u32;
	[bflag:$0x2] =	sbarrier.arrive $0xFFFF  }
0xd7: {  	p0 =	sne.s32 s0, $0x0;
	s0 =	rddreg [dreg:$0x3]  }
0xd8: {  	s0 =	sadd.s32 @!p0 $0x100000, s0  }
0xd9: {  	[sflag:s0] =	ssyncadd.tile.s32 @!p0 $0x1;
	_ =	shalt  }
.Lfunc_end2:
_tile_overlayer_lowered:
.L_overlay_start_2:
0xda: {  	(tag) =	ssettag $0x2  }
0xdb: {  	s0 =	rddreg [dreg:$0x0];
	s2 =	stileid.u32  }
0xdc: {  	s1 =	rddreg [dreg:$0x1];
	p0 =	sne.s32 s2, $0x0  }
0xdd: {  	s3 =	rddreg [dreg:$0x2];
	[bflag:$0x3] =	sbarrier.arrive $0xFFFF;
	s2 =	simm.s32 @!p0 $0x1C05  }
0xde: {  	[timem:s3], [sflag:s2] =	dma.local @!p0 [hbm:s0], s1  }
0xdf: {  	s0 =	simm.s32 @!p0 $0x5  }
0xe0: {  	_ =	swait.ge @!p0 [sflag:s0], s1  }
0xe1: {  	s1 =	ssub.s32 @!p0 $0x0, s1;
	[sflag:s0] =	ssyncset.done @!p0 $0x0  }
0xe2: {  	[sflag:s0] =	ssyncadd.s32 @!p0 s1  }
0xe3: {  	[bflag:$0x3] =	sbarrier.arrive $0xFFFF  }
0xe4: {  	_ =	shalt  }

</sc_bundles>
